<compile_context>
chip_gen: v7x
topology: tpu7x:2x2x1
jax: 0.10.2.dev20260603
libtpu: 0.0.44.dev20260713+nightly
codegen_flags: <defaults>
</compile_context>

<pallas_src>
import functools

import jax
import jax.numpy as jnp
from jax import lax
from jax.experimental import pallas as pl
from jax.experimental.pallas import tpu as pltpu

N_NODE = 2048
N_EDGE = 32768
E_CHUNK = 1024
NODES_PER_BLOCK = 64
N_BLOCKS = N_NODE // NODES_PER_BLOCK
ROWS_PER_BLOCK = 3 * NODES_PER_BLOCK


def _edge_blocks_kernel(src_ref, dst_ref, em_ref, a_ref, i_ref, coords_ref,
                        out_ref):
    src = src_ref[...]
    dst = dst_ref[...]
    coords = coords_ref[...]
    iota = lax.broadcasted_iota(jnp.int32, (E_CHUNK, N_NODE), 1)
    oh_s = (src == iota).astype(jnp.float32)
    oh_d = (dst == iota).astype(jnp.float32)
    xs = jnp.dot(oh_s, coords, preferred_element_type=jnp.float32,
                 precision=lax.Precision.HIGHEST)
    xd = jnp.dot(oh_d, coords, preferred_element_type=jnp.float32,
                 precision=lax.Precision.HIGHEST)
    dx = xs[:, 0:1] - xd[:, 0:1]
    dy = xs[:, 1:2] - xd[:, 1:2]
    L = jnp.sqrt(dx * dx + dy * dy)
    em = em_ref[...]
    krot = em * i_ref[...] / (L * L * L)
    klin = em * a_ref[...] / L
    cos = dx / L
    sin = -dy / L
    ss = sin * sin
    cc = cos * cos
    sc = sin * cos
    Ls = 6.0 * L * sin
    Lc = 6.0 * L * cos
    L2 = 2.0 * L * L
    L4 = 4.0 * L * L
    z = jnp.zeros_like(L)
    rot = [
        12 * ss, 12 * sc, -Ls, -12 * ss, -12 * sc, -Ls,
        12 * sc, 12 * cc, -Lc, -12 * sc, -12 * cc, -Lc,
        -Ls, -Lc, L4, Ls, Lc, L2,
        -12 * ss, -12 * sc, Ls, 12 * ss, 12 * sc, Ls,
        -12 * sc, -12 * cc, Lc, 12 * sc, 12 * cc, Lc,
        -Ls, -Lc, L2, Ls, Lc, L4,
    ]
    lin = [
        cc, -sc, z, -cc, sc, z,
        -sc, ss, z, sc, -ss, z,
        z, z, z, z, z, z,
        -cc, sc, z, cc, -sc, z,
        sc, -ss, z, -sc, ss, z,
        z, z, z, z, z, z,
    ]
    cols = [r * krot + l * klin for r, l in zip(rot, lin)]
    out_ref[...] = jnp.concatenate(cols, axis=1)


PAD_COLS = 3 * N_NODE + 256


def _assemble_kernel(perm_ref, rn_ref, sd_ref, st_ref, vals_ref,
                     acc_ref):
    b = pl.program_id(0)
    acc_ref[...] = jnp.zeros((8 * NODES_PER_BLOCK, PAD_COLS), jnp.float32)
    base_node = b * NODES_PER_BLOCK
    lane = lax.broadcasted_iota(jnp.int32, (8, 256), 1)

    def body(r, _):
        p = perm_ref[r]
        r0 = (rn_ref[r] - base_node) * 8
        sd = sd_ref[r]
        cs = (sd // N_NODE) * 3
        cd = (sd % N_NODE) * 3
        cell = vals_ref[pl.ds(8 * (p // 16), 8), :]
        tile = pltpu.roll(cell, (128 - 8 * (p % 16)) % 128, axis=1)
        tile = jnp.concatenate([tile, jnp.zeros((8, 128), jnp.float32)],
                               axis=1)
        vs = jnp.where(lane < 3, tile, 0.0)
        vd = jnp.where(lane < 3, pltpu.roll(tile, 253, axis=1), 0.0)

        for col, upd in ((cs, vs), (cd, vd)):
            cb = (col // 128) * 128
            win = (pl.ds(r0, 8), pl.ds(cb, 256))
            acc_ref[win] = acc_ref[win] + pltpu.roll(upd, col % 128, axis=1)
        return 0

    lax.fori_loop(st_ref[b], st_ref[b + 1], body, 0)


@jax.jit
def kernel(coordinates, delta, edge_src, edge_dst, E_mod, A, I):
    src = edge_src.astype(jnp.int32)
    dst = edge_dst.astype(jnp.int32)
    coords_upd = coordinates + delta

    kmat = pl.pallas_call(
        _edge_blocks_kernel,
        grid=(N_EDGE // E_CHUNK,),
        in_specs=[
            pl.BlockSpec((E_CHUNK, 1), lambda i: (i, 0)),
            pl.BlockSpec((E_CHUNK, 1), lambda i: (i, 0)),
            pl.BlockSpec((E_CHUNK, 1), lambda i: (i, 0)),
            pl.BlockSpec((E_CHUNK, 1), lambda i: (i, 0)),
            pl.BlockSpec((E_CHUNK, 1), lambda i: (i, 0)),
            pl.BlockSpec((N_NODE, 2), lambda i: (0, 0)),
        ],
        out_specs=pl.BlockSpec((E_CHUNK, 36), lambda i: (i, 0)),
        out_shape=jax.ShapeDtypeStruct((N_EDGE, 36), jnp.float32),
    )(src[:, None], dst[:, None], E_mod[:, None], A[:, None], I[:, None],
      coords_upd)

    k6 = kmat.reshape(N_EDGE, 6, 6)
    tiles = jnp.concatenate([k6[:, 0:3, :], k6[:, 3:6, :]], axis=0)
    ng = (2 * N_EDGE) // 16
    vp = tiles.reshape(ng, 16, 3, 6).transpose(0, 2, 1, 3)
    vp = jnp.pad(vp, ((0, 0), (0, 5), (0, 0), (0, 2)))
    vals_pad = vp.reshape(ng, 8, 128).reshape(ng * 8, 128)

    row_node = jnp.concatenate([src, dst])
    sd_packed = jnp.concatenate([src * N_NODE + dst] * 2)
    perm = jnp.argsort(row_node).astype(jnp.int32)
    rn_sorted = row_node[perm]
    sd_sorted = sd_packed[perm]
    bounds = jnp.arange(N_BLOCKS + 1, dtype=jnp.int32) * NODES_PER_BLOCK
    start = jnp.searchsorted(rn_sorted, bounds).astype(jnp.int32)

    full = pl.pallas_call(
        _assemble_kernel,
        grid_spec=pltpu.PrefetchScalarGridSpec(
            num_scalar_prefetch=4,
            grid=(N_BLOCKS,),
            in_specs=[
                pl.BlockSpec((2 * N_EDGE // 16 * 8, 128), lambda b, *_: (0, 0)),
            ],
            out_specs=pl.BlockSpec((8 * NODES_PER_BLOCK, PAD_COLS),
                                   lambda b, *_: (b, 0)),
        ),
        out_shape=jax.ShapeDtypeStruct((8 * N_NODE, PAD_COLS), jnp.float32),
    )(perm, rn_sorted, sd_sorted, start, vals_pad)
    return full.reshape(N_NODE, 8, PAD_COLS)[:, 0:3, :3 * N_NODE].reshape(
        3 * N_NODE, 3 * N_NODE)

# --- scband reference (transcript-rebuilt; emitter-appended) ---
"""Pipeline reference for scband-stiffness-matrix-12799002542408 (READ-ONLY COPY).

The authoritative reference and input builder live on the scoring server;
editing this copy changes nothing except your own understanding.
"""

import jax, jax.numpy as jnp
import numpy as np

N_NODES = 2048
N_EDGES = 32768

def setup_inputs(seed: int = 0) -> dict:
    key = jax.random.key(seed)
    ks = jax.random.split(key, 7)
    coordinates = jax.random.normal(ks[0], (N_NODES, 2), dtype=jnp.float32) * 10.0
    delta = jax.random.normal(ks[1], (N_NODES, 2), dtype=jnp.float32) * 0.01
    edge_src = jax.random.randint(ks[2], (N_EDGES,), 0, N_NODES, dtype=jnp.int64 if jax.config.jax_enable_x64 else jnp.int32)
    off = jax.random.randint(ks[3], (N_EDGES,), 1, N_NODES, dtype=edge_src.dtype)
    edge_dst = (edge_src + off) % N_NODES  # avoid self-loops (L=0 -> NaN)
    E_mod = jax.random.uniform(ks[4], (N_EDGES,), dtype=jnp.float32) + 0.5
    A = jax.random.uniform(ks[5], (N_EDGES,), dtype=jnp.float32) + 0.5
    I = jax.random.uniform(ks[6], (N_EDGES,), dtype=jnp.float32) + 0.5
    return {"coordinates": coordinates, "delta": delta, "edge_src": edge_src,
            "edge_dst": edge_dst, "E_mod": E_mod, "A": A, "I": I}

def reference(coordinates, delta, edge_src, edge_dst, E_mod, A, I):
    n_nodes = coordinates.shape[0]
    coords_upd = coordinates + delta
    # fn.u_sub_v: edge feature = src - dst
    d = coords_upd[edge_src] - coords_upd[edge_dst]
    L = jnp.linalg.norm(d, axis=1)
    krot = E_mod * I / L ** 3
    klin = E_mod * A / L
    cos = (d[:, 0] / L)[:, None]
    sin = -(d[:, 1] / L)[:, None]
    Lc = L[:, None]
    sinsq = sin ** 2
    cossq = cos ** 2
    sincos = sin * cos
    Lsin = 6 * Lc * sin
    Lcos = 6 * Lc * cos
    L2 = 2 * Lc ** 2
    L4 = 4 * Lc ** 2
    Kmat_rot = jnp.concatenate([
        12 * sinsq, 12 * sincos, -Lsin, -12 * sinsq, -12 * sincos, -Lsin,
        12 * sincos, 12 * cossq, -Lcos, -12 * sincos, -12 * cossq, -Lcos,
        -Lsin, -Lcos, L4, Lsin, Lcos, L2,
        -12 * sinsq, -12 * sincos, Lsin, 12 * sinsq, 12 * sincos, Lsin,
        -12 * sincos, -12 * cossq, Lcos, 12 * sincos, 12 * cossq, Lcos,
        -Lsin, -Lcos, L2, Lsin, Lcos, L4], axis=1)
    Kmat_rot = Kmat_rot * krot[:, None]
    zeros = jnp.zeros((edge_src.shape[0], 1), dtype=jnp.float32)
    Kmat_lin = jnp.concatenate([
        cossq, -sincos, zeros, -cossq, sincos, zeros,
        -sincos, sinsq, zeros, sincos, -sinsq, zeros,
        zeros, zeros, zeros, zeros, zeros, zeros,
        -cossq, sincos, zeros, cossq, -sincos, zeros,
        sincos, -sinsq, zeros, -sincos, sinsq, zeros,
        zeros, zeros, zeros, zeros, zeros, zeros], axis=1)
    Kmat_lin = Kmat_lin * klin[:, None]
    Kmat = (Kmat_rot + Kmat_lin).reshape(-1, 6, 6)
    # scatter-add 6x6 per-edge blocks into the dense (3N)x(3N) global matrix
    three = jnp.arange(3, dtype=edge_src.dtype)
    idx6 = jnp.concatenate([(3 * edge_src)[:, None] + three[None, :],
                            (3 * edge_dst)[:, None] + three[None, :]], axis=1)  # [E, 6]
    rows = jnp.broadcast_to(idx6[:, :, None], Kmat.shape)
    cols = jnp.broadcast_to(idx6[:, None, :], Kmat.shape)
    fullmat = jnp.zeros((n_nodes * 3, n_nodes * 3), dtype=jnp.float32)
    fullmat = fullmat.at[rows, cols].add(Kmat)
    return fullmat

if __name__ == "__main__":
    import jax
    _d = setup_inputs()
    print(jax.jit(kernel)(*tuple(_d.values())))

</pallas_src>

<mosaic_0001>
module attributes {stable_mosaic.version = 14 : i64} {
  func.func @_edge_blocks_kernel(%arg0: i32, %arg1: memref<1024x1xi32, #tpu.memory_space<vmem>>, %arg2: memref<1024x1xi32, #tpu.memory_space<vmem>>, %arg3: memref<1024x1xf32, #tpu.memory_space<vmem>>, %arg4: memref<1024x1xf32, #tpu.memory_space<vmem>>, %arg5: memref<1024x1xf32, #tpu.memory_space<vmem>>, %arg6: memref<2048x2xf32, #tpu.memory_space<vmem>>, %arg7: memref<1024x36xf32, #tpu.memory_space<vmem>>) attributes {dimension_semantics = [#tpu.dimension_semantics<arbitrary>], iteration_bounds = array<i64: 32>, scalar_prefetch = 0 : i64, scratch_operands = 0 : i64, tpu.core_type = #tpu.core_type<tc>, window_params = [{transform_indices = @transform_0, window_bounds = array<i64: 1024, 1>}, {transform_indices = @transform_1, window_bounds = array<i64: 1024, 1>}, {transform_indices = @transform_2, window_bounds = array<i64: 1024, 1>}, {transform_indices = @transform_3, window_bounds = array<i64: 1024, 1>}, {transform_indices = @transform_4, window_bounds = array<i64: 1024, 1>}, {pipeline_mode = #tpu.pipeline_mode<synchronous>, transform_indices = @transform_5, window_bounds = array<i64: 2048, 2>}, {transform_indices = @transform_6, window_bounds = array<i64: 1024, 36>}]} {
    %get3A = arith.constant 0 : index
    %get3A_0 = arith.constant 0 : index
    %get3A_1 = vector.load %arg1[%get3A, %get3A_0] : memref<1024x1xi32, #tpu.memory_space<vmem>>, vector<1024x1xi32>
    %get3A_2 = arith.constant 0 : index
    %get3A_3 = arith.constant 0 : index
    %get3A_4 = vector.load %arg2[%get3A_2, %get3A_3] : memref<1024x1xi32, #tpu.memory_space<vmem>>, vector<1024x1xi32>
    %get3A_5 = arith.constant 0 : index
    %get3A_6 = arith.constant 0 : index
    %get3A_7 = vector.load %arg6[%get3A_5, %get3A_6] : memref<2048x2xf32, #tpu.memory_space<vmem>>, vector<2048x2xf32>
    %iota3A = tpu.iota {dimensions = array<i32: 1>} : vector<1024x2048xi32>
    %eq3A = vector.broadcast %get3A_1 : vector<1024x1xi32> to vector<1024x2048xi32>
    %eq3A_8 = arith.cmpi eq, %eq3A, %iota3A : vector<1024x2048xi32>
    %convert_element_type3A = arith.extui %eq3A_8 : vector<1024x2048xi1> to vector<1024x2048xi32>
    %convert_element_type3A_9 = arith.sitofp %convert_element_type3A : vector<1024x2048xi32> to vector<1024x2048xf32>
    %eq3A_10 = vector.broadcast %get3A_4 : vector<1024x1xi32> to vector<1024x2048xi32>
    %eq3A_11 = arith.cmpi eq, %eq3A_10, %iota3A : vector<1024x2048xi32>
    %convert_element_type3A_12 = arith.extui %eq3A_11 : vector<1024x2048xi1> to vector<1024x2048xi32>
    %convert_element_type3A_13 = arith.sitofp %convert_element_type3A_12 : vector<1024x2048xi32> to vector<1024x2048xf32>
    %dot_general3A = arith.constant dense<0.000000e+00> : vector<1024x2xf32>
    %dot_general3A_14 = tpu.matmul %convert_element_type3A_9, %get3A_7, %dot_general3A {dimension_numbers = #tpu.dot_dimension_numbers<[1], [0], [0], [1], [0, 0, 1, 1], [], []>, precision = #tpu.contract_precision<fp32>, transpose_lhs_hint = false} : vector<1024x2048xf32>, vector<2048x2xf32>, vector<1024x2xf32> -> vector<1024x2xf32>
    %dot_general3A_15 = arith.constant dense<0.000000e+00> : vector<1024x2xf32>
    %dot_general3A_16 = tpu.matmul %convert_element_type3A_13, %get3A_7, %dot_general3A_15 {dimension_numbers = #tpu.dot_dimension_numbers<[1], [0], [0], [1], [0, 0, 1, 1], [], []>, precision = #tpu.contract_precision<fp32>, transpose_lhs_hint = false} : vector<1024x2048xf32>, vector<2048x2xf32>, vector<1024x2xf32> -> vector<1024x2xf32>
    %slice3A = vector.extract_strided_slice %dot_general3A_14 {offsets = [0, 0], sizes = [1024, 1], strides = [1, 1]} : vector<1024x2xf32> to vector<1024x1xf32>
    %slice3A_17 = vector.extract_strided_slice %dot_general3A_16 {offsets = [0, 0], sizes = [1024, 1], strides = [1, 1]} : vector<1024x2xf32> to vector<1024x1xf32>
    %sub3A = arith.subf %slice3A, %slice3A_17 : vector<1024x1xf32>
    %slice3A_18 = vector.extract_strided_slice %dot_general3A_14 {offsets = [0, 1], sizes = [1024, 1], strides = [1, 1]} : vector<1024x2xf32> to vector<1024x1xf32>
    %slice3A_19 = vector.extract_strided_slice %dot_general3A_16 {offsets = [0, 1], sizes = [1024, 1], strides = [1, 1]} : vector<1024x2xf32> to vector<1024x1xf32>
    %sub3A_20 = arith.subf %slice3A_18, %slice3A_19 : vector<1024x1xf32>
    %mul3A = arith.mulf %sub3A, %sub3A : vector<1024x1xf32>
    %mul3A_21 = arith.mulf %sub3A_20, %sub3A_20 : vector<1024x1xf32>
    %add3A = arith.addf %mul3A, %mul3A_21 : vector<1024x1xf32>
    %sqrt3A = math.sqrt %add3A : vector<1024x1xf32>
    %get3A_22 = arith.constant 0 : index
    %get3A_23 = arith.constant 0 : index
    %get3A_24 = vector.load %arg3[%get3A_22, %get3A_23] : memref<1024x1xf32, #tpu.memory_space<vmem>>, vector<1024x1xf32>
    %get3A_25 = arith.constant 0 : index
    %get3A_26 = arith.constant 0 : index
    %get3A_27 = vector.load %arg5[%get3A_25, %get3A_26] : memref<1024x1xf32, #tpu.memory_space<vmem>>, vector<1024x1xf32>
    %mul3A_28 = arith.mulf %get3A_24, %get3A_27 : vector<1024x1xf32>
    %mul3A_29 = arith.mulf %sqrt3A, %sqrt3A : vector<1024x1xf32>
    %mul3A_30 = arith.mulf %mul3A_29, %sqrt3A : vector<1024x1xf32>
    %div3A = arith.divf %mul3A_28, %mul3A_30 : vector<1024x1xf32>
    %get3A_31 = arith.constant 0 : index
    %get3A_32 = arith.constant 0 : index
    %get3A_33 = vector.load %arg4[%get3A_31, %get3A_32] : memref<1024x1xf32, #tpu.memory_space<vmem>>, vector<1024x1xf32>
    %mul3A_34 = arith.mulf %get3A_24, %get3A_33 : vector<1024x1xf32>
    %div3A_35 = arith.divf %mul3A_34, %sqrt3A : vector<1024x1xf32>
    %div3A_36 = arith.divf %sub3A, %sqrt3A : vector<1024x1xf32>
    %neg3A = arith.constant 0.000000e+00 : f32
    %neg3A_37 = vector.broadcast %neg3A : f32 to vector<1024x1xf32>
    %neg3A_38 = arith.subf %neg3A_37, %sub3A_20 : vector<1024x1xf32>
    %div3A_39 = arith.divf %neg3A_38, %sqrt3A : vector<1024x1xf32>
    %mul3A_40 = arith.mulf %div3A_39, %div3A_39 : vector<1024x1xf32>
    %mul3A_41 = arith.mulf %div3A_36, %div3A_36 : vector<1024x1xf32>
    %mul3A_42 = arith.mulf %div3A_39, %div3A_36 : vector<1024x1xf32>
    %mul3A_43 = arith.constant 6.000000e+00 : f32
    %mul3A_44 = vector.broadcast %mul3A_43 : f32 to vector<1024x1xf32>
    %mul3A_45 = arith.mulf %mul3A_44, %sqrt3A : vector<1024x1xf32>
    %mul3A_46 = arith.mulf %mul3A_45, %div3A_39 : vector<1024x1xf32>
    %mul3A_47 = arith.constant 6.000000e+00 : f32
    %mul3A_48 = vector.broadcast %mul3A_47 : f32 to vector<1024x1xf32>
    %mul3A_49 = arith.mulf %mul3A_48, %sqrt3A : vector<1024x1xf32>
    %mul3A_50 = arith.mulf %mul3A_49, %div3A_36 : vector<1024x1xf32>
    %mul3A_51 = arith.constant 2.000000e+00 : f32
    %mul3A_52 = vector.broadcast %mul3A_51 : f32 to vector<1024x1xf32>
    %mul3A_53 = arith.mulf %mul3A_52, %sqrt3A : vector<1024x1xf32>
    %mul3A_54 = arith.mulf %mul3A_53, %sqrt3A : vector<1024x1xf32>
    %mul3A_55 = arith.constant 4.000000e+00 : f32
    %mul3A_56 = vector.broadcast %mul3A_55 : f32 to vector<1024x1xf32>
    %mul3A_57 = arith.mulf %mul3A_56, %sqrt3A : vector<1024x1xf32>
    %mul3A_58 = arith.mulf %mul3A_57, %sqrt3A : vector<1024x1xf32>
    %broadcast_in_dim3A = arith.constant 0.000000e+00 : f32
    %broadcast_in_dim3A_59 = vector.broadcast %broadcast_in_dim3A : f32 to vector<1024x1xf32>
    %mul3A_60 = arith.constant 1.200000e+01 : f32
    %mul3A_61 = vector.broadcast %mul3A_60 : f32 to vector<1024x1xf32>
    %mul3A_62 = arith.mulf %mul3A_61, %mul3A_40 : vector<1024x1xf32>
    %mul3A_63 = arith.constant 1.200000e+01 : f32
    %mul3A_64 = vector.broadcast %mul3A_63 : f32 to vector<1024x1xf32>
    %mul3A_65 = arith.mulf %mul3A_64, %mul3A_42 : vector<1024x1xf32>
    %neg3A_66 = arith.constant 0.000000e+00 : f32
    %neg3A_67 = vector.broadcast %neg3A_66 : f32 to vector<1024x1xf32>
    %neg3A_68 = arith.subf %neg3A_67, %mul3A_46 : vector<1024x1xf32>
    %mul3A_69 = arith.constant -1.200000e+01 : f32
    %mul3A_70 = vector.broadcast %mul3A_69 : f32 to vector<1024x1xf32>
    %mul3A_71 = arith.mulf %mul3A_70, %mul3A_40 : vector<1024x1xf32>
    %mul3A_72 = arith.constant -1.200000e+01 : f32
    %mul3A_73 = vector.broadcast %mul3A_72 : f32 to vector<1024x1xf32>
    %mul3A_74 = arith.mulf %mul3A_73, %mul3A_42 : vector<1024x1xf32>
    %neg3A_75 = arith.constant 0.000000e+00 : f32
    %neg3A_76 = vector.broadcast %neg3A_75 : f32 to vector<1024x1xf32>
    %neg3A_77 = arith.subf %neg3A_76, %mul3A_46 : vector<1024x1xf32>
    %mul3A_78 = arith.constant 1.200000e+01 : f32
    %mul3A_79 = vector.broadcast %mul3A_78 : f32 to vector<1024x1xf32>
    %mul3A_80 = arith.mulf %mul3A_79, %mul3A_42 : vector<1024x1xf32>
    %mul3A_81 = arith.constant 1.200000e+01 : f32
    %mul3A_82 = vector.broadcast %mul3A_81 : f32 to vector<1024x1xf32>
    %mul3A_83 = arith.mulf %mul3A_82, %mul3A_41 : vector<1024x1xf32>
    %neg3A_84 = arith.constant 0.000000e+00 : f32
    %neg3A_85 = vector.broadcast %neg3A_84 : f32 to vector<1024x1xf32>
    %neg3A_86 = arith.subf %neg3A_85, %mul3A_50 : vector<1024x1xf32>
    %mul3A_87 = arith.constant -1.200000e+01 : f32
    %mul3A_88 = vector.broadcast %mul3A_87 : f32 to vector<1024x1xf32>
    %mul3A_89 = arith.mulf %mul3A_88, %mul3A_42 : vector<1024x1xf32>
    %mul3A_90 = arith.constant -1.200000e+01 : f32
    %mul3A_91 = vector.broadcast %mul3A_90 : f32 to vector<1024x1xf32>
    %mul3A_92 = arith.mulf %mul3A_91, %mul3A_41 : vector<1024x1xf32>
    %neg3A_93 = arith.constant 0.000000e+00 : f32
    %neg3A_94 = vector.broadcast %neg3A_93 : f32 to vector<1024x1xf32>
    %neg3A_95 = arith.subf %neg3A_94, %mul3A_50 : vector<1024x1xf32>
    %neg3A_96 = arith.constant 0.000000e+00 : f32
    %neg3A_97 = vector.broadcast %neg3A_96 : f32 to vector<1024x1xf32>
    %neg3A_98 = arith.subf %neg3A_97, %mul3A_46 : vector<1024x1xf32>
    %neg3A_99 = arith.constant 0.000000e+00 : f32
    %neg3A_100 = vector.broadcast %neg3A_99 : f32 to vector<1024x1xf32>
    %neg3A_101 = arith.subf %neg3A_100, %mul3A_50 : vector<1024x1xf32>
    %mul3A_102 = arith.constant -1.200000e+01 : f32
    %mul3A_103 = vector.broadcast %mul3A_102 : f32 to vector<1024x1xf32>
    %mul3A_104 = arith.mulf %mul3A_103, %mul3A_40 : vector<1024x1xf32>
    %mul3A_105 = arith.constant -1.200000e+01 : f32
    %mul3A_106 = vector.broadcast %mul3A_105 : f32 to vector<1024x1xf32>
    %mul3A_107 = arith.mulf %mul3A_106, %mul3A_42 : vector<1024x1xf32>
    %mul3A_108 = arith.constant 1.200000e+01 : f32
    %mul3A_109 = vector.broadcast %mul3A_108 : f32 to vector<1024x1xf32>
    %mul3A_110 = arith.mulf %mul3A_109, %mul3A_40 : vector<1024x1xf32>
    %mul3A_111 = arith.constant 1.200000e+01 : f32
    %mul3A_112 = vector.broadcast %mul3A_111 : f32 to vector<1024x1xf32>
    %mul3A_113 = arith.mulf %mul3A_112, %mul3A_42 : vector<1024x1xf32>
    %mul3A_114 = arith.constant -1.200000e+01 : f32
    %mul3A_115 = vector.broadcast %mul3A_114 : f32 to vector<1024x1xf32>
    %mul3A_116 = arith.mulf %mul3A_115, %mul3A_42 : vector<1024x1xf32>
    %mul3A_117 = arith.constant -1.200000e+01 : f32
    %mul3A_118 = vector.broadcast %mul3A_117 : f32 to vector<1024x1xf32>
    %mul3A_119 = arith.mulf %mul3A_118, %mul3A_41 : vector<1024x1xf32>
    %mul3A_120 = arith.constant 1.200000e+01 : f32
    %mul3A_121 = vector.broadcast %mul3A_120 : f32 to vector<1024x1xf32>
    %mul3A_122 = arith.mulf %mul3A_121, %mul3A_42 : vector<1024x1xf32>
    %mul3A_123 = arith.constant 1.200000e+01 : f32
    %mul3A_124 = vector.broadcast %mul3A_123 : f32 to vector<1024x1xf32>
    %mul3A_125 = arith.mulf %mul3A_124, %mul3A_41 : vector<1024x1xf32>
    %neg3A_126 = arith.constant 0.000000e+00 : f32
    %neg3A_127 = vector.broadcast %neg3A_126 : f32 to vector<1024x1xf32>
    %neg3A_128 = arith.subf %neg3A_127, %mul3A_46 : vector<1024x1xf32>
    %neg3A_129 = arith.constant 0.000000e+00 : f32
    %neg3A_130 = vector.broadcast %neg3A_129 : f32 to vector<1024x1xf32>
    %neg3A_131 = arith.subf %neg3A_130, %mul3A_50 : vector<1024x1xf32>
    %neg3A_132 = arith.constant 0.000000e+00 : f32
    %neg3A_133 = vector.broadcast %neg3A_132 : f32 to vector<1024x1xf32>
    %neg3A_134 = arith.subf %neg3A_133, %mul3A_42 : vector<1024x1xf32>
    %neg3A_135 = arith.constant 0.000000e+00 : f32
    %neg3A_136 = vector.broadcast %neg3A_135 : f32 to vector<1024x1xf32>
    %neg3A_137 = arith.subf %neg3A_136, %mul3A_41 : vector<1024x1xf32>
    %neg3A_138 = arith.constant 0.000000e+00 : f32
    %neg3A_139 = vector.broadcast %neg3A_138 : f32 to vector<1024x1xf32>
    %neg3A_140 = arith.subf %neg3A_139, %mul3A_42 : vector<1024x1xf32>
    %neg3A_141 = arith.constant 0.000000e+00 : f32
    %neg3A_142 = vector.broadcast %neg3A_141 : f32 to vector<1024x1xf32>
    %neg3A_143 = arith.subf %neg3A_142, %mul3A_40 : vector<1024x1xf32>
    %neg3A_144 = arith.constant 0.000000e+00 : f32
    %neg3A_145 = vector.broadcast %neg3A_144 : f32 to vector<1024x1xf32>
    %neg3A_146 = arith.subf %neg3A_145, %mul3A_41 : vector<1024x1xf32>
    %neg3A_147 = arith.constant 0.000000e+00 : f32
    %neg3A_148 = vector.broadcast %neg3A_147 : f32 to vector<1024x1xf32>
    %neg3A_149 = arith.subf %neg3A_148, %mul3A_42 : vector<1024x1xf32>
    %neg3A_150 = arith.constant 0.000000e+00 : f32
    %neg3A_151 = vector.broadcast %neg3A_150 : f32 to vector<1024x1xf32>
    %neg3A_152 = arith.subf %neg3A_151, %mul3A_40 : vector<1024x1xf32>
    %neg3A_153 = arith.constant 0.000000e+00 : f32
    %neg3A_154 = vector.broadcast %neg3A_153 : f32 to vector<1024x1xf32>
    %neg3A_155 = arith.subf %neg3A_154, %mul3A_42 : vector<1024x1xf32>
    %mul3A_156 = arith.mulf %mul3A_62, %div3A : vector<1024x1xf32>
    %mul3A_157 = arith.mulf %mul3A_41, %div3A_35 : vector<1024x1xf32>
    %add3A_158 = arith.addf %mul3A_156, %mul3A_157 : vector<1024x1xf32>
    %mul3A_159 = arith.mulf %mul3A_65, %div3A : vector<1024x1xf32>
    %mul3A_160 = arith.mulf %neg3A_134, %div3A_35 : vector<1024x1xf32>
    %add3A_161 = arith.addf %mul3A_159, %mul3A_160 : vector<1024x1xf32>
    %mul3A_162 = arith.mulf %neg3A_68, %div3A : vector<1024x1xf32>
    %mul3A_163 = arith.mulf %broadcast_in_dim3A_59, %div3A_35 : vector<1024x1xf32>
    %add3A_164 = arith.addf %mul3A_162, %mul3A_163 : vector<1024x1xf32>
    %mul3A_165 = arith.mulf %mul3A_71, %div3A : vector<1024x1xf32>
    %mul3A_166 = arith.mulf %neg3A_137, %div3A_35 : vector<1024x1xf32>
    %add3A_167 = arith.addf %mul3A_165, %mul3A_166 : vector<1024x1xf32>
    %mul3A_168 = arith.mulf %mul3A_74, %div3A : vector<1024x1xf32>
    %mul3A_169 = arith.mulf %mul3A_42, %div3A_35 : vector<1024x1xf32>
    %add3A_170 = arith.addf %mul3A_168, %mul3A_169 : vector<1024x1xf32>
    %mul3A_171 = arith.mulf %neg3A_77, %div3A : vector<1024x1xf32>
    %mul3A_172 = arith.mulf %broadcast_in_dim3A_59, %div3A_35 : vector<1024x1xf32>
    %add3A_173 = arith.addf %mul3A_171, %mul3A_172 : vector<1024x1xf32>
    %mul3A_174 = arith.mulf %mul3A_80, %div3A : vector<1024x1xf32>
    %mul3A_175 = arith.mulf %neg3A_140, %div3A_35 : vector<1024x1xf32>
    %add3A_176 = arith.addf %mul3A_174, %mul3A_175 : vector<1024x1xf32>
    %mul3A_177 = arith.mulf %mul3A_83, %div3A : vector<1024x1xf32>
    %mul3A_178 = arith.mulf %mul3A_40, %div3A_35 : vector<1024x1xf32>
    %add3A_179 = arith.addf %mul3A_177, %mul3A_178 : vector<1024x1xf32>
    %mul3A_180 = arith.mulf %neg3A_86, %div3A : vector<1024x1xf32>
    %mul3A_181 = arith.mulf %broadcast_in_dim3A_59, %div3A_35 : vector<1024x1xf32>
    %add3A_182 = arith.addf %mul3A_180, %mul3A_181 : vector<1024x1xf32>
    %mul3A_183 = arith.mulf %mul3A_89, %div3A : vector<1024x1xf32>
    %mul3A_184 = arith.mulf %mul3A_42, %div3A_35 : vector<1024x1xf32>
    %add3A_185 = arith.addf %mul3A_183, %mul3A_184 : vector<1024x1xf32>
    %mul3A_186 = arith.mulf %mul3A_92, %div3A : vector<1024x1xf32>
    %mul3A_187 = arith.mulf %neg3A_143, %div3A_35 : vector<1024x1xf32>
    %add3A_188 = arith.addf %mul3A_186, %mul3A_187 : vector<1024x1xf32>
    %mul3A_189 = arith.mulf %neg3A_95, %div3A : vector<1024x1xf32>
    %mul3A_190 = arith.mulf %broadcast_in_dim3A_59, %div3A_35 : vector<1024x1xf32>
    %add3A_191 = arith.addf %mul3A_189, %mul3A_190 : vector<1024x1xf32>
    %mul3A_192 = arith.mulf %neg3A_98, %div3A : vector<1024x1xf32>
    %mul3A_193 = arith.mulf %broadcast_in_dim3A_59, %div3A_35 : vector<1024x1xf32>
    %add3A_194 = arith.addf %mul3A_192, %mul3A_193 : vector<1024x1xf32>
    %mul3A_195 = arith.mulf %neg3A_101, %div3A : vector<1024x1xf32>
    %mul3A_196 = arith.mulf %broadcast_in_dim3A_59, %div3A_35 : vector<1024x1xf32>
    %add3A_197 = arith.addf %mul3A_195, %mul3A_196 : vector<1024x1xf32>
    %mul3A_198 = arith.mulf %mul3A_58, %div3A : vector<1024x1xf32>
    %mul3A_199 = arith.mulf %broadcast_in_dim3A_59, %div3A_35 : vector<1024x1xf32>
    %add3A_200 = arith.addf %mul3A_198, %mul3A_199 : vector<1024x1xf32>
    %mul3A_201 = arith.mulf %mul3A_46, %div3A : vector<1024x1xf32>
    %mul3A_202 = arith.mulf %broadcast_in_dim3A_59, %div3A_35 : vector<1024x1xf32>
    %add3A_203 = arith.addf %mul3A_201, %mul3A_202 : vector<1024x1xf32>
    %mul3A_204 = arith.mulf %mul3A_50, %div3A : vector<1024x1xf32>
    %mul3A_205 = arith.mulf %broadcast_in_dim3A_59, %div3A_35 : vector<1024x1xf32>
    %add3A_206 = arith.addf %mul3A_204, %mul3A_205 : vector<1024x1xf32>
    %mul3A_207 = arith.mulf %mul3A_54, %div3A : vector<1024x1xf32>
    %mul3A_208 = arith.mulf %broadcast_in_dim3A_59, %div3A_35 : vector<1024x1xf32>
    %add3A_209 = arith.addf %mul3A_207, %mul3A_208 : vector<1024x1xf32>
    %mul3A_210 = arith.mulf %mul3A_104, %div3A : vector<1024x1xf32>
    %mul3A_211 = arith.mulf %neg3A_146, %div3A_35 : vector<1024x1xf32>
    %add3A_212 = arith.addf %mul3A_210, %mul3A_211 : vector<1024x1xf32>
    %mul3A_213 = arith.mulf %mul3A_107, %div3A : vector<1024x1xf32>
    %mul3A_214 = arith.mulf %mul3A_42, %div3A_35 : vector<1024x1xf32>
    %add3A_215 = arith.addf %mul3A_213, %mul3A_214 : vector<1024x1xf32>
    %mul3A_216 = arith.mulf %mul3A_46, %div3A : vector<1024x1xf32>
    %mul3A_217 = arith.mulf %broadcast_in_dim3A_59, %div3A_35 : vector<1024x1xf32>
    %add3A_218 = arith.addf %mul3A_216, %mul3A_217 : vector<1024x1xf32>
    %mul3A_219 = arith.mulf %mul3A_110, %div3A : vector<1024x1xf32>
    %mul3A_220 = arith.mulf %mul3A_41, %div3A_35 : vector<1024x1xf32>
    %add3A_221 = arith.addf %mul3A_219, %mul3A_220 : vector<1024x1xf32>
    %mul3A_222 = arith.mulf %mul3A_113, %div3A : vector<1024x1xf32>
    %mul3A_223 = arith.mulf %neg3A_149, %div3A_35 : vector<1024x1xf32>
    %add3A_224 = arith.addf %mul3A_222, %mul3A_223 : vector<1024x1xf32>
    %mul3A_225 = arith.mulf %mul3A_46, %div3A : vector<1024x1xf32>
    %mul3A_226 = arith.mulf %broadcast_in_dim3A_59, %div3A_35 : vector<1024x1xf32>
    %add3A_227 = arith.addf %mul3A_225, %mul3A_226 : vector<1024x1xf32>
    %mul3A_228 = arith.mulf %mul3A_116, %div3A : vector<1024x1xf32>
    %mul3A_229 = arith.mulf %mul3A_42, %div3A_35 : vector<1024x1xf32>
    %add3A_230 = arith.addf %mul3A_228, %mul3A_229 : vector<1024x1xf32>
    %mul3A_231 = arith.mulf %mul3A_119, %div3A : vector<1024x1xf32>
    %mul3A_232 = arith.mulf %neg3A_152, %div3A_35 : vector<1024x1xf32>
    %add3A_233 = arith.addf %mul3A_231, %mul3A_232 : vector<1024x1xf32>
    %mul3A_234 = arith.mulf %mul3A_50, %div3A : vector<1024x1xf32>
    %mul3A_235 = arith.mulf %broadcast_in_dim3A_59, %div3A_35 : vector<1024x1xf32>
    %add3A_236 = arith.addf %mul3A_234, %mul3A_235 : vector<1024x1xf32>
    %mul3A_237 = arith.mulf %mul3A_122, %div3A : vector<1024x1xf32>
    %mul3A_238 = arith.mulf %neg3A_155, %div3A_35 : vector<1024x1xf32>
    %add3A_239 = arith.addf %mul3A_237, %mul3A_238 : vector<1024x1xf32>
    %mul3A_240 = arith.mulf %mul3A_125, %div3A : vector<1024x1xf32>
    %mul3A_241 = arith.mulf %mul3A_40, %div3A_35 : vector<1024x1xf32>
    %add3A_242 = arith.addf %mul3A_240, %mul3A_241 : vector<1024x1xf32>
    %mul3A_243 = arith.mulf %mul3A_50, %div3A : vector<1024x1xf32>
    %mul3A_244 = arith.mulf %broadcast_in_dim3A_59, %div3A_35 : vector<1024x1xf32>
    %add3A_245 = arith.addf %mul3A_243, %mul3A_244 : vector<1024x1xf32>
    %mul3A_246 = arith.mulf %neg3A_128, %div3A : vector<1024x1xf32>
    %mul3A_247 = arith.mulf %broadcast_in_dim3A_59, %div3A_35 : vector<1024x1xf32>
    %add3A_248 = arith.addf %mul3A_246, %mul3A_247 : vector<1024x1xf32>
    %mul3A_249 = arith.mulf %neg3A_131, %div3A : vector<1024x1xf32>
    %mul3A_250 = arith.mulf %broadcast_in_dim3A_59, %div3A_35 : vector<1024x1xf32>
    %add3A_251 = arith.addf %mul3A_249, %mul3A_250 : vector<1024x1xf32>
    %mul3A_252 = arith.mulf %mul3A_54, %div3A : vector<1024x1xf32>
    %mul3A_253 = arith.mulf %broadcast_in_dim3A_59, %div3A_35 : vector<1024x1xf32>
    %add3A_254 = arith.addf %mul3A_252, %mul3A_253 : vector<1024x1xf32>
    %mul3A_255 = arith.mulf %mul3A_46, %div3A : vector<1024x1xf32>
    %mul3A_256 = arith.mulf %broadcast_in_dim3A_59, %div3A_35 : vector<1024x1xf32>
    %add3A_257 = arith.addf %mul3A_255, %mul3A_256 : vector<1024x1xf32>
    %mul3A_258 = arith.mulf %mul3A_50, %div3A : vector<1024x1xf32>
    %mul3A_259 = arith.mulf %broadcast_in_dim3A_59, %div3A_35 : vector<1024x1xf32>
    %add3A_260 = arith.addf %mul3A_258, %mul3A_259 : vector<1024x1xf32>
    %mul3A_261 = arith.mulf %mul3A_58, %div3A : vector<1024x1xf32>
    %mul3A_262 = arith.mulf %broadcast_in_dim3A_59, %div3A_35 : vector<1024x1xf32>
    %add3A_263 = arith.addf %mul3A_261, %mul3A_262 : vector<1024x1xf32>
    %concatenate3A = tpu.concatenate %add3A_158, %add3A_161, %add3A_164, %add3A_167, %add3A_170, %add3A_173, %add3A_176, %add3A_179, %add3A_182, %add3A_185, %add3A_188, %add3A_191, %add3A_194, %add3A_197, %add3A_200, %add3A_203, %add3A_206, %add3A_209, %add3A_212, %add3A_215, %add3A_218, %add3A_221, %add3A_224, %add3A_227, %add3A_230, %add3A_233, %add3A_236, %add3A_239, %add3A_242, %add3A_245, %add3A_248, %add3A_251, %add3A_254, %add3A_257, %add3A_260, %add3A_263 in 1 : vector<1024x1xf32>, vector<1024x1xf32>, vector<1024x1xf32>, vector<1024x1xf32>, vector<1024x1xf32>, vector<1024x1xf32>, vector<1024x1xf32>, vector<1024x1xf32>, vector<1024x1xf32>, vector<1024x1xf32>, vector<1024x1xf32>, vector<1024x1xf32>, vector<1024x1xf32>, vector<1024x1xf32>, vector<1024x1xf32>, vector<1024x1xf32>, vector<1024x1xf32>, vector<1024x1xf32>, vector<1024x1xf32>, vector<1024x1xf32>, vector<1024x1xf32>, vector<1024x1xf32>, vector<1024x1xf32>, vector<1024x1xf32>, vector<1024x1xf32>, vector<1024x1xf32>, vector<1024x1xf32>, vector<1024x1xf32>, vector<1024x1xf32>, vector<1024x1xf32>, vector<1024x1xf32>, vector<1024x1xf32>, vector<1024x1xf32>, vector<1024x1xf32>, vector<1024x1xf32>, vector<1024x1xf32> -> vector<1024x36xf32>
    %swap3A = arith.constant 0 : index
    %swap3A_264 = arith.constant 0 : index
    %swap3A_265 = vector.load %arg7[%swap3A, %swap3A_264] : memref<1024x36xf32, #tpu.memory_space<vmem>>, vector<1024x36xf32>
    tpu.vector_store %arg7[%swap3A, %swap3A_264], %concatenate3A {strides = array<i32>} : memref<1024x36xf32, #tpu.memory_space<vmem>>, vector<1024x36xf32>,
    return
  }
  func.func @transform_0(%arg0: i32) -> (i32, i32) {
    %c0_i32 = arith.constant 0 : i32
    %c0_i32_0 = arith.constant 0 : i32
    return %arg0, %c0_i32 : i32, i32
  }
  func.func @transform_1(%arg0: i32) -> (i32, i32) {
    %c0_i32 = arith.constant 0 : i32
    %c0_i32_0 = arith.constant 0 : i32
    return %arg0, %c0_i32 : i32, i32
  }
  func.func @transform_2(%arg0: i32) -> (i32, i32) {
    %c0_i32 = arith.constant 0 : i32
    %c0_i32_0 = arith.constant 0 : i32
    return %arg0, %c0_i32 : i32, i32
  }
  func.func @transform_3(%arg0: i32) -> (i32, i32) {
    %c0_i32 = arith.constant 0 : i32
    %c0_i32_0 = arith.constant 0 : i32
    return %arg0, %c0_i32 : i32, i32
  }
  func.func @transform_4(%arg0: i32) -> (i32, i32) {
    %c0_i32 = arith.constant 0 : i32
    %c0_i32_0 = arith.constant 0 : i32
    return %arg0, %c0_i32 : i32, i32
  }
  func.func @transform_5(%arg0: i32) -> (i32, i32) {
    %c0_i32 = arith.constant 0 : i32
    %c0_i32_0 = arith.constant 0 : i32
    %c0_i32_1 = arith.constant 0 : i32
    return %c0_i32, %c0_i32_0 : i32, i32
  }
  func.func @transform_6(%arg0: i32) -> (i32, i32) {
    %c0_i32 = arith.constant 0 : i32
    %c0_i32_0 = arith.constant 0 : i32
    return %arg0, %c0_i32 : i32, i32
  }
}

module attributes {stable_mosaic.version = 14 : i64} {
  func.func @_assemble_kernel(%arg0: i32, %arg1: memref<65536xi32, #tpu.memory_space<smem>>, %arg2: memref<65536xi32, #tpu.memory_space<smem>>, %arg3: memref<65536xi32, #tpu.memory_space<smem>>, %arg4: memref<33xi32, #tpu.memory_space<smem>>, %arg5: memref<32768x128xf32, #tpu.memory_space<vmem>>, %arg6: memref<512x6400xf32, #tpu.memory_space<vmem>>) attributes {dimension_semantics = [#tpu.dimension_semantics<arbitrary>], iteration_bounds = array<i64: 32>, scalar_prefetch = 4 : i64, scratch_operands = 0 : i64, tpu.core_type = #tpu.core_type<tc>, window_params = [{pipeline_mode = #tpu.pipeline_mode<synchronous>, transform_indices = @transform_0, window_bounds = array<i64: 32768, 128>}, {transform_indices = @transform_1, window_bounds = array<i64: 512, 6400>}]} {
    %broadcast_in_dim3A = arith.constant 0.000000e+00 : f32
    %broadcast_in_dim3A_0 = vector.broadcast %broadcast_in_dim3A : f32 to vector<512x6400xf32>
    %swap3A = arith.constant 0 : index
    %swap3A_1 = arith.constant 0 : index
    %swap3A_2 = vector.load %arg6[%swap3A, %swap3A_1] : memref<512x6400xf32, #tpu.memory_space<vmem>>, vector<512x6400xf32>
    tpu.vector_store %arg6[%swap3A, %swap3A_1], %broadcast_in_dim3A_0 {strides = array<i32>} : memref<512x6400xf32, #tpu.memory_space<vmem>>, vector<512x6400xf32>,
    %mul3A = arith.constant 64 : i32
    %mul3A_3 = arith.muli %arg0, %mul3A : i32
    %iota3A = tpu.iota {dimensions = array<i32: 1>} : vector<8x256xi32>
    %get3A = arith.index_cast %arg0 : i32 to index
    %get3A_4 = memref.load %arg4[%get3A] : memref<33xi32, #tpu.memory_space<smem>>
    %add3A = arith.constant 1 : i32
    %add3A_5 = arith.addi %arg0, %add3A : i32
    %get3A_6 = arith.index_cast %add3A_5 : i32 to index
    %get3A_7 = memref.load %arg4[%get3A_6] : memref<33xi32, #tpu.memory_space<smem>>
    %while3A = arith.constant 0 : i32
    %while3A_8 = arith.subi %get3A_7, %get3A_4 : i32
    %while3A_9 = arith.addi %get3A_4, %while3A_8 : i32
    %while3A_10 = arith.constant 1 : i32
    %while3A_11 = arith.divsi %while3A_8, %while3A_10 : i32
    %while3A_12 = arith.muli %while3A_11, %while3A_10 : i32
    %while3A_13 = arith.addi %get3A_4, %while3A_12 : i32
    %while3A_14 = arith.constant 1 : i32
    %while3A_15 = scf.for %while3A_18 = %get3A_4 to %while3A_13 step %while3A_14 iter_args(%while3A_19 = %while3A) -> (i32)  : i32 {
      %get3A_20 = arith.index_cast %while3A_18 : i32 to index
      %get3A_21 = memref.load %arg1[%get3A_20] : memref<65536xi32, #tpu.memory_space<smem>>
      %get3A_22 = arith.index_cast %while3A_18 : i32 to index
      %get3A_23 = memref.load %arg2[%get3A_22] : memref<65536xi32, #tpu.memory_space<smem>>
      %sub3A = arith.subi %get3A_23, %mul3A_3 : i32
      %mul3A_24 = arith.constant 8 : i32
      %mul3A_25 = arith.muli %sub3A, %mul3A_24 : i32
      %get3A_26 = arith.index_cast %while3A_18 : i32 to index
      %get3A_27 = memref.load %arg3[%get3A_26] : memref<65536xi32, #tpu.memory_space<smem>>
      %jit3A = arith.constant 2048 : i32
      %div3A = arith.divsi %get3A_27, %jit3A : i32
      %sign3A = arith.constant 0 : i32
      %sign3A_28 = arith.cmpi sgt, %get3A_27, %sign3A : i32
      %sign3A_29 = arith.extui %sign3A_28 : i1 to i32
      %sign3A_30 = arith.constant 0 : i32
      %sign3A_31 = arith.cmpi slt, %get3A_27, %sign3A_30 : i32
      %sign3A_32 = arith.extui %sign3A_31 : i1 to i32
      %sign3A_33 = arith.subi %sign3A_29, %sign3A_32 : i32
      %sign3A_34 = arith.constant 0 : i32
      %sign3A_35 = arith.cmpi sgt, %jit3A, %sign3A_34 : i32
      %sign3A_36 = arith.extui %sign3A_35 : i1 to i32
      %sign3A_37 = arith.constant 0 : i32
      %sign3A_38 = arith.cmpi slt, %jit3A, %sign3A_37 : i32
      %sign3A_39 = arith.extui %sign3A_38 : i1 to i32
      %sign3A_40 = arith.subi %sign3A_36, %sign3A_39 : i32
      %ne3A = arith.cmpi ne, %sign3A_33, %sign3A_40 : i32
      %rem3A = arith.remsi %get3A_27, %jit3A : i32
      %ne3A_41 = arith.constant 0 : i32
      %ne3A_42 = arith.cmpi ne, %rem3A, %ne3A_41 : i32
      %and3A = arith.andi %ne3A, %ne3A_42 : i1
      %sub3A_43 = arith.constant 1 : i32
      %sub3A_44 = arith.subi %div3A, %sub3A_43 : i32
      %select_n3A = arith.select %and3A, %sub3A_44, %div3A : i32
      %mul3A_45 = arith.constant 3 : i32
      %mul3A_46 = arith.muli %select_n3A, %mul3A_45 : i32
      %jit3A_47 = arith.constant 2048 : i32
      %eq3A = arith.constant 0 : i32
      %eq3A_48 = arith.cmpi eq, %jit3A_47, %eq3A : i32
      %jit3A_49 = arith.constant 1 : i32
      %select_n3A_50 = arith.select %eq3A_48, %jit3A_49, %jit3A_47 : i32
      %rem3A_51 = arith.remsi %get3A_27, %select_n3A_50 : i32
      %ne3A_52 = arith.constant 0 : i32
      %ne3A_53 = arith.cmpi ne, %rem3A_51, %ne3A_52 : i32
      %lt3A = arith.constant 0 : i32
      %lt3A_54 = arith.cmpi slt, %rem3A_51, %lt3A : i32
      %lt3A_55 = arith.constant 0 : i32
      %lt3A_56 = arith.cmpi slt, %select_n3A_50, %lt3A_55 : i32
      %ne3A_57 = arith.xori %lt3A_54, %lt3A_56 : i1
      %and3A_58 = arith.andi %ne3A_57, %ne3A_53 : i1
      %add3A_59 = arith.addi %rem3A_51, %select_n3A_50 : i32
      %select_n3A_60 = arith.select %and3A_58, %add3A_59, %rem3A_51 : i32
      %mul3A_61 = arith.constant 3 : i32
      %mul3A_62 = arith.muli %select_n3A_60, %mul3A_61 : i32
      %jit3A_63 = arith.constant 16 : i32
      %div3A_64 = arith.divsi %get3A_21, %jit3A_63 : i32
      %sign3A_65 = arith.constant 0 : i32
      %sign3A_66 = arith.cmpi sgt, %get3A_21, %sign3A_65 : i32
      %sign3A_67 = arith.extui %sign3A_66 : i1 to i32
      %sign3A_68 = arith.constant 0 : i32
      %sign3A_69 = arith.cmpi slt, %get3A_21, %sign3A_68 : i32
      %sign3A_70 = arith.extui %sign3A_69 : i1 to i32
      %sign3A_71 = arith.subi %sign3A_67, %sign3A_70 : i32
      %sign3A_72 = arith.constant 0 : i32
      %sign3A_73 = arith.cmpi sgt, %jit3A_63, %sign3A_72 : i32
      %sign3A_74 = arith.extui %sign3A_73 : i1 to i32
      %sign3A_75 = arith.constant 0 : i32
      %sign3A_76 = arith.cmpi slt, %jit3A_63, %sign3A_75 : i32
      %sign3A_77 = arith.extui %sign3A_76 : i1 to i32
      %sign3A_78 = arith.subi %sign3A_74, %sign3A_77 : i32
      %ne3A_79 = arith.cmpi ne, %sign3A_71, %sign3A_78 : i32
      %rem3A_80 = arith.remsi %get3A_21, %jit3A_63 : i32
      %ne3A_81 = arith.constant 0 : i32
      %ne3A_82 = arith.cmpi ne, %rem3A_80, %ne3A_81 : i32
      %and3A_83 = arith.andi %ne3A_79, %ne3A_82 : i1
      %sub3A_84 = arith.constant 1 : i32
      %sub3A_85 = arith.subi %div3A_64, %sub3A_84 : i32
      %select_n3A_86 = arith.select %and3A_83, %sub3A_85, %div3A_64 : i32
      %mul3A_87 = arith.constant 8 : i32
      %mul3A_88 = arith.muli %mul3A_87, %select_n3A_86 : i32
      %get3A_89 = arith.index_cast %mul3A_88 : i32 to index
      %get3A_90 = arith.constant 0 : index
      %get3A_91 = vector.load %arg5[%get3A_89, %get3A_90] : memref<32768x128xf32, #tpu.memory_space<vmem>>, vector<8x128xf32>
      %jit3A_92 = arith.constant 16 : i32
      %eq3A_93 = arith.constant 0 : i32
      %eq3A_94 = arith.cmpi eq, %jit3A_92, %eq3A_93 : i32
      %jit3A_95 = arith.constant 1 : i32
      %select_n3A_96 = arith.select %eq3A_94, %jit3A_95, %jit3A_92 : i32
      %rem3A_97 = arith.remsi %get3A_21, %select_n3A_96 : i32
      %ne3A_98 = arith.constant 0 : i32
      %ne3A_99 = arith.cmpi ne, %rem3A_97, %ne3A_98 : i32
      %lt3A_100 = arith.constant 0 : i32
      %lt3A_101 = arith.cmpi slt, %rem3A_97, %lt3A_100 : i32
      %lt3A_102 = arith.constant 0 : i32
      %lt3A_103 = arith.cmpi slt, %select_n3A_96, %lt3A_102 : i32
      %ne3A_104 = arith.xori %lt3A_101, %lt3A_103 : i1
      %and3A_105 = arith.andi %ne3A_104, %ne3A_99 : i1
      %add3A_106 = arith.addi %rem3A_97, %select_n3A_96 : i32
      %select_n3A_107 = arith.select %and3A_105, %add3A_106, %rem3A_97 : i32
      %mul3A_108 = arith.constant 8 : i32
      %mul3A_109 = arith.muli %mul3A_108, %select_n3A_107 : i32
      %sub3A_110 = arith.constant 128 : i32
      %sub3A_111 = arith.subi %sub3A_110, %mul3A_109 : i32
      %jit3A_112 = arith.constant 128 : i32
      %eq3A_113 = arith.constant 0 : i32
      %eq3A_114 = arith.cmpi eq, %jit3A_112, %eq3A_113 : i32
      %jit3A_115 = arith.constant 1 : i32
      %select_n3A_116 = arith.select %eq3A_114, %jit3A_115, %jit3A_112 : i32
      %rem3A_117 = arith.remsi %sub3A_111, %select_n3A_116 : i32
      %ne3A_118 = arith.constant 0 : i32
      %ne3A_119 = arith.cmpi ne, %rem3A_117, %ne3A_118 : i32
      %lt3A_120 = arith.constant 0 : i32
      %lt3A_121 = arith.cmpi slt, %rem3A_117, %lt3A_120 : i32
      %lt3A_122 = arith.constant 0 : i32
      %lt3A_123 = arith.cmpi slt, %select_n3A_116, %lt3A_122 : i32
      %ne3A_124 = arith.xori %lt3A_121, %lt3A_123 : i1
      %and3A_125 = arith.andi %ne3A_124, %ne3A_119 : i1
      %add3A_126 = arith.addi %rem3A_117, %select_n3A_116 : i32
      %select_n3A_127 = arith.select %and3A_125, %add3A_126, %rem3A_117 : i32
      %roll3A = tpu.dynamic_rotate %get3A_91 by %select_n3A_127 dim 1 : vector<8x128xf32>, i32 -> vector<8x128xf32>
      %broadcast_in_dim3A_128 = arith.constant 0.000000e+00 : f32
      %broadcast_in_dim3A_129 = vector.broadcast %broadcast_in_dim3A_128 : f32 to vector<8x128xf32>
      %concatenate3A = tpu.concatenate %roll3A, %broadcast_in_dim3A_129 in 1 : vector<8x128xf32>, vector<8x128xf32> -> vector<8x256xf32>
      %lt3A_130 = arith.constant 3 : i32
      %lt3A_131 = vector.broadcast %lt3A_130 : i32 to vector<8x256xi32>
      %lt3A_132 = arith.cmpi slt, %iota3A, %lt3A_131 : vector<8x256xi32>
      %jit3A_133 = arith.constant 0.000000e+00 : f32
      %broadcast_in_dim3A_134 = vector.broadcast %jit3A_133 : f32 to vector<8x256xf32>
      %select_n3A_135 = arith.select %lt3A_132, %concatenate3A, %broadcast_in_dim3A_134 : vector<8x256xi1>, vector<8x256xf32>
      %lt3A_136 = arith.constant 3 : i32
      %lt3A_137 = vector.broadcast %lt3A_136 : i32 to vector<8x256xi32>
      %lt3A_138 = arith.cmpi slt, %iota3A, %lt3A_137 : vector<8x256xi32>
      %roll3A_139 = arith.constant 253 : i32
      %roll3A_140 = tpu.dynamic_rotate %concatenate3A by %roll3A_139 dim 1 : vector<8x256xf32>, i32 -> vector<8x256xf32>
      %jit3A_141 = arith.constant 0.000000e+00 : f32
      %broadcast_in_dim3A_142 = vector.broadcast %jit3A_141 : f32 to vector<8x256xf32>
      %select_n3A_143 = arith.select %lt3A_138, %roll3A_140, %broadcast_in_dim3A_142 : vector<8x256xi1>, vector<8x256xf32>
      %jit3A_144 = arith.constant 128 : i32
      %div3A_145 = arith.divsi %mul3A_46, %jit3A_144 : i32
      %sign3A_146 = arith.constant 0 : i32
      %sign3A_147 = arith.cmpi sgt, %mul3A_46, %sign3A_146 : i32
      %sign3A_148 = arith.extui %sign3A_147 : i1 to i32
      %sign3A_149 = arith.constant 0 : i32
      %sign3A_150 = arith.cmpi slt, %mul3A_46, %sign3A_149 : i32
      %sign3A_151 = arith.extui %sign3A_150 : i1 to i32
      %sign3A_152 = arith.subi %sign3A_148, %sign3A_151 : i32
      %sign3A_153 = arith.constant 0 : i32
      %sign3A_154 = arith.cmpi sgt, %jit3A_144, %sign3A_153 : i32
      %sign3A_155 = arith.extui %sign3A_154 : i1 to i32
      %sign3A_156 = arith.constant 0 : i32
      %sign3A_157 = arith.cmpi slt, %jit3A_144, %sign3A_156 : i32
      %sign3A_158 = arith.extui %sign3A_157 : i1 to i32
      %sign3A_159 = arith.subi %sign3A_155, %sign3A_158 : i32
      %ne3A_160 = arith.cmpi ne, %sign3A_152, %sign3A_159 : i32
      %rem3A_161 = arith.remsi %mul3A_46, %jit3A_144 : i32
      %ne3A_162 = arith.constant 0 : i32
      %ne3A_163 = arith.cmpi ne, %rem3A_161, %ne3A_162 : i32
      %and3A_164 = arith.andi %ne3A_160, %ne3A_163 : i1
      %sub3A_165 = arith.constant 1 : i32
      %sub3A_166 = arith.subi %div3A_145, %sub3A_165 : i32
      %select_n3A_167 = arith.select %and3A_164, %sub3A_166, %div3A_145 : i32
      %mul3A_168 = arith.constant 128 : i32
      %mul3A_169 = arith.muli %select_n3A_167, %mul3A_168 : i32
      %get3A_170 = arith.index_cast %mul3A_25 : i32 to index
      %get3A_171 = arith.index_cast %mul3A_169 : i32 to index
      %get3A_172 = vector.load %arg6[%get3A_170, %get3A_171] : memref<512x6400xf32, #tpu.memory_space<vmem>>, vector<8x256xf32>
      %jit3A_173 = arith.constant 128 : i32
      %eq3A_174 = arith.constant 0 : i32
      %eq3A_175 = arith.cmpi eq, %jit3A_173, %eq3A_174 : i32
      %jit3A_176 = arith.constant 1 : i32
      %select_n3A_177 = arith.select %eq3A_175, %jit3A_176, %jit3A_173 : i32
      %rem3A_178 = arith.remsi %mul3A_46, %select_n3A_177 : i32
      %ne3A_179 = arith.constant 0 : i32
      %ne3A_180 = arith.cmpi ne, %rem3A_178, %ne3A_179 : i32
      %lt3A_181 = arith.constant 0 : i32
      %lt3A_182 = arith.cmpi slt, %rem3A_178, %lt3A_181 : i32
      %lt3A_183 = arith.constant 0 : i32
      %lt3A_184 = arith.cmpi slt, %select_n3A_177, %lt3A_183 : i32
      %ne3A_185 = arith.xori %lt3A_182, %lt3A_184 : i1
      %and3A_186 = arith.andi %ne3A_185, %ne3A_180 : i1
      %add3A_187 = arith.addi %rem3A_178, %select_n3A_177 : i32
      %select_n3A_188 = arith.select %and3A_186, %add3A_187, %rem3A_178 : i32
      %roll3A_189 = tpu.dynamic_rotate %select_n3A_135 by %select_n3A_188 dim 1 : vector<8x256xf32>, i32 -> vector<8x256xf32>
      %add3A_190 = arith.addf %get3A_172, %roll3A_189 : vector<8x256xf32>
      %swap3A_191 = arith.index_cast %mul3A_25 : i32 to index
      %swap3A_192 = arith.index_cast %mul3A_169 : i32 to index
      %swap3A_193 = vector.load %arg6[%swap3A_191, %swap3A_192] : memref<512x6400xf32, #tpu.memory_space<vmem>>, vector<8x256xf32>
      tpu.vector_store %arg6[%swap3A_191, %swap3A_192], %add3A_190 {strides = array<i32>} : memref<512x6400xf32, #tpu.memory_space<vmem>>, vector<8x256xf32>,
      %jit3A_194 = arith.constant 128 : i32
      %div3A_195 = arith.divsi %mul3A_62, %jit3A_194 : i32
      %sign3A_196 = arith.constant 0 : i32
      %sign3A_197 = arith.cmpi sgt, %mul3A_62, %sign3A_196 : i32
      %sign3A_198 = arith.extui %sign3A_197 : i1 to i32
      %sign3A_199 = arith.constant 0 : i32
      %sign3A_200 = arith.cmpi slt, %mul3A_62, %sign3A_199 : i32
      %sign3A_201 = arith.extui %sign3A_200 : i1 to i32
      %sign3A_202 = arith.subi %sign3A_198, %sign3A_201 : i32
      %sign3A_203 = arith.constant 0 : i32
      %sign3A_204 = arith.cmpi sgt, %jit3A_194, %sign3A_203 : i32
      %sign3A_205 = arith.extui %sign3A_204 : i1 to i32
      %sign3A_206 = arith.constant 0 : i32
      %sign3A_207 = arith.cmpi slt, %jit3A_194, %sign3A_206 : i32
      %sign3A_208 = arith.extui %sign3A_207 : i1 to i32
      %sign3A_209 = arith.subi %sign3A_205, %sign3A_208 : i32
      %ne3A_210 = arith.cmpi ne, %sign3A_202, %sign3A_209 : i32
      %rem3A_211 = arith.remsi %mul3A_62, %jit3A_194 : i32
      %ne3A_212 = arith.constant 0 : i32
      %ne3A_213 = arith.cmpi ne, %rem3A_211, %ne3A_212 : i32
      %and3A_214 = arith.andi %ne3A_210, %ne3A_213 : i1
      %sub3A_215 = arith.constant 1 : i32
      %sub3A_216 = arith.subi %div3A_195, %sub3A_215 : i32
      %select_n3A_217 = arith.select %and3A_214, %sub3A_216, %div3A_195 : i32
      %mul3A_218 = arith.constant 128 : i32
      %mul3A_219 = arith.muli %select_n3A_217, %mul3A_218 : i32
      %get3A_220 = arith.index_cast %mul3A_25 : i32 to index
      %get3A_221 = arith.index_cast %mul3A_219 : i32 to index
      %get3A_222 = vector.load %arg6[%get3A_220, %get3A_221] : memref<512x6400xf32, #tpu.memory_space<vmem>>, vector<8x256xf32>
      %jit3A_223 = arith.constant 128 : i32
      %eq3A_224 = arith.constant 0 : i32
      %eq3A_225 = arith.cmpi eq, %jit3A_223, %eq3A_224 : i32
      %jit3A_226 = arith.constant 1 : i32
      %select_n3A_227 = arith.select %eq3A_225, %jit3A_226, %jit3A_223 : i32
      %rem3A_228 = arith.remsi %mul3A_62, %select_n3A_227 : i32
      %ne3A_229 = arith.constant 0 : i32
      %ne3A_230 = arith.cmpi ne, %rem3A_228, %ne3A_229 : i32
      %lt3A_231 = arith.constant 0 : i32
      %lt3A_232 = arith.cmpi slt, %rem3A_228, %lt3A_231 : i32
      %lt3A_233 = arith.constant 0 : i32
      %lt3A_234 = arith.cmpi slt, %select_n3A_227, %lt3A_233 : i32
      %ne3A_235 = arith.xori %lt3A_232, %lt3A_234 : i1
      %and3A_236 = arith.andi %ne3A_235, %ne3A_230 : i1
      %add3A_237 = arith.addi %rem3A_228, %select_n3A_227 : i32
      %select_n3A_238 = arith.select %and3A_236, %add3A_237, %rem3A_228 : i32
      %roll3A_239 = tpu.dynamic_rotate %select_n3A_143 by %select_n3A_238 dim 1 : vector<8x256xf32>, i32 -> vector<8x256xf32>
      %add3A_240 = arith.addf %get3A_222, %roll3A_239 : vector<8x256xf32>
      %swap3A_241 = arith.index_cast %mul3A_25 : i32 to index
      %swap3A_242 = arith.index_cast %mul3A_219 : i32 to index
      %swap3A_243 = vector.load %arg6[%swap3A_241, %swap3A_242] : memref<512x6400xf32, #tpu.memory_space<vmem>>, vector<8x256xf32>
      tpu.vector_store %arg6[%swap3A_241, %swap3A_242], %add3A_240 {strides = array<i32>} : memref<512x6400xf32, #tpu.memory_space<vmem>>, vector<8x256xf32>,
      %while3A_244 = arith.constant 0 : i32
      scf.yield %while3A_244 : i32
    }
    %while3A_16 = arith.constant 1 : i32
    %while3A_17 = scf.for %while3A_18 = %while3A_13 to %while3A_9 step %while3A_16 iter_args(%while3A_19 = %while3A_15) -> (i32)  : i32 {
      %get3A_20 = arith.index_cast %while3A_18 : i32 to index
      %get3A_21 = memref.load %arg1[%get3A_20] : memref<65536xi32, #tpu.memory_space<smem>>
      %get3A_22 = arith.index_cast %while3A_18 : i32 to index
      %get3A_23 = memref.load %arg2[%get3A_22] : memref<65536xi32, #tpu.memory_space<smem>>
      %sub3A = arith.subi %get3A_23, %mul3A_3 : i32
      %mul3A_24 = arith.constant 8 : i32
      %mul3A_25 = arith.muli %sub3A, %mul3A_24 : i32
      %get3A_26 = arith.index_cast %while3A_18 : i32 to index
      %get3A_27 = memref.load %arg3[%get3A_26] : memref<65536xi32, #tpu.memory_space<smem>>
      %jit3A = arith.constant 2048 : i32
      %div3A = arith.divsi %get3A_27, %jit3A : i32
      %sign3A = arith.constant 0 : i32
      %sign3A_28 = arith.cmpi sgt, %get3A_27, %sign3A : i32
      %sign3A_29 = arith.extui %sign3A_28 : i1 to i32
      %sign3A_30 = arith.constant 0 : i32
      %sign3A_31 = arith.cmpi slt, %get3A_27, %sign3A_30 : i32
      %sign3A_32 = arith.extui %sign3A_31 : i1 to i32
      %sign3A_33 = arith.subi %sign3A_29, %sign3A_32 : i32
      %sign3A_34 = arith.constant 0 : i32
      %sign3A_35 = arith.cmpi sgt, %jit3A, %sign3A_34 : i32
      %sign3A_36 = arith.extui %sign3A_35 : i1 to i32
      %sign3A_37 = arith.constant 0 : i32
      %sign3A_38 = arith.cmpi slt, %jit3A, %sign3A_37 : i32
      %sign3A_39 = arith.extui %sign3A_38 : i1 to i32
      %sign3A_40 = arith.subi %sign3A_36, %sign3A_39 : i32
      %ne3A = arith.cmpi ne, %sign3A_33, %sign3A_40 : i32
      %rem3A = arith.remsi %get3A_27, %jit3A : i32
      %ne3A_41 = arith.constant 0 : i32
      %ne3A_42 = arith.cmpi ne, %rem3A, %ne3A_41 : i32
      %and3A = arith.andi %ne3A, %ne3A_42 : i1
      %sub3A_43 = arith.constant 1 : i32
      %sub3A_44 = arith.subi %div3A, %sub3A_43 : i32
      %select_n3A = arith.select %and3A, %sub3A_44, %div3A : i32
      %mul3A_45 = arith.constant 3 : i32
      %mul3A_46 = arith.muli %select_n3A, %mul3A_45 : i32
      %jit3A_47 = arith.constant 2048 : i32
      %eq3A = arith.constant 0 : i32
      %eq3A_48 = arith.cmpi eq, %jit3A_47, %eq3A : i32
      %jit3A_49 = arith.constant 1 : i32
      %select_n3A_50 = arith.select %eq3A_48, %jit3A_49, %jit3A_47 : i32
      %rem3A_51 = arith.remsi %get3A_27, %select_n3A_50 : i32
      %ne3A_52 = arith.constant 0 : i32
      %ne3A_53 = arith.cmpi ne, %rem3A_51, %ne3A_52 : i32
      %lt3A = arith.constant 0 : i32
      %lt3A_54 = arith.cmpi slt, %rem3A_51, %lt3A : i32
      %lt3A_55 = arith.constant 0 : i32
      %lt3A_56 = arith.cmpi slt, %select_n3A_50, %lt3A_55 : i32
      %ne3A_57 = arith.xori %lt3A_54, %lt3A_56 : i1
      %and3A_58 = arith.andi %ne3A_57, %ne3A_53 : i1
      %add3A_59 = arith.addi %rem3A_51, %select_n3A_50 : i32
      %select_n3A_60 = arith.select %and3A_58, %add3A_59, %rem3A_51 : i32
      %mul3A_61 = arith.constant 3 : i32
      %mul3A_62 = arith.muli %select_n3A_60, %mul3A_61 : i32
      %jit3A_63 = arith.constant 16 : i32
      %div3A_64 = arith.divsi %get3A_21, %jit3A_63 : i32
      %sign3A_65 = arith.constant 0 : i32
      %sign3A_66 = arith.cmpi sgt, %get3A_21, %sign3A_65 : i32
      %sign3A_67 = arith.extui %sign3A_66 : i1 to i32
      %sign3A_68 = arith.constant 0 : i32
      %sign3A_69 = arith.cmpi slt, %get3A_21, %sign3A_68 : i32
      %sign3A_70 = arith.extui %sign3A_69 : i1 to i32
      %sign3A_71 = arith.subi %sign3A_67, %sign3A_70 : i32
      %sign3A_72 = arith.constant 0 : i32
      %sign3A_73 = arith.cmpi sgt, %jit3A_63, %sign3A_72 : i32
      %sign3A_74 = arith.extui %sign3A_73 : i1 to i32
      %sign3A_75 = arith.constant 0 : i32
      %sign3A_76 = arith.cmpi slt, %jit3A_63, %sign3A_75 : i32
      %sign3A_77 = arith.extui %sign3A_76 : i1 to i32
      %sign3A_78 = arith.subi %sign3A_74, %sign3A_77 : i32
      %ne3A_79 = arith.cmpi ne, %sign3A_71, %sign3A_78 : i32
      %rem3A_80 = arith.remsi %get3A_21, %jit3A_63 : i32
      %ne3A_81 = arith.constant 0 : i32
      %ne3A_82 = arith.cmpi ne, %rem3A_80, %ne3A_81 : i32
      %and3A_83 = arith.andi %ne3A_79, %ne3A_82 : i1
      %sub3A_84 = arith.constant 1 : i32
      %sub3A_85 = arith.subi %div3A_64, %sub3A_84 : i32
      %select_n3A_86 = arith.select %and3A_83, %sub3A_85, %div3A_64 : i32
      %mul3A_87 = arith.constant 8 : i32
      %mul3A_88 = arith.muli %mul3A_87, %select_n3A_86 : i32
      %get3A_89 = arith.index_cast %mul3A_88 : i32 to index
      %get3A_90 = arith.constant 0 : index
      %get3A_91 = vector.load %arg5[%get3A_89, %get3A_90] : memref<32768x128xf32, #tpu.memory_space<vmem>>, vector<8x128xf32>
      %jit3A_92 = arith.constant 16 : i32
      %eq3A_93 = arith.constant 0 : i32
      %eq3A_94 = arith.cmpi eq, %jit3A_92, %eq3A_93 : i32
      %jit3A_95 = arith.constant 1 : i32
      %select_n3A_96 = arith.select %eq3A_94, %jit3A_95, %jit3A_92 : i32
      %rem3A_97 = arith.remsi %get3A_21, %select_n3A_96 : i32
      %ne3A_98 = arith.constant 0 : i32
      %ne3A_99 = arith.cmpi ne, %rem3A_97, %ne3A_98 : i32
      %lt3A_100 = arith.constant 0 : i32
      %lt3A_101 = arith.cmpi slt, %rem3A_97, %lt3A_100 : i32
      %lt3A_102 = arith.constant 0 : i32
      %lt3A_103 = arith.cmpi slt, %select_n3A_96, %lt3A_102 : i32
      %ne3A_104 = arith.xori %lt3A_101, %lt3A_103 : i1
      %and3A_105 = arith.andi %ne3A_104, %ne3A_99 : i1
      %add3A_106 = arith.addi %rem3A_97, %select_n3A_96 : i32
      %select_n3A_107 = arith.select %and3A_105, %add3A_106, %rem3A_97 : i32
      %mul3A_108 = arith.constant 8 : i32
      %mul3A_109 = arith.muli %mul3A_108, %select_n3A_107 : i32
      %sub3A_110 = arith.constant 128 : i32
      %sub3A_111 = arith.subi %sub3A_110, %mul3A_109 : i32
      %jit3A_112 = arith.constant 128 : i32
      %eq3A_113 = arith.constant 0 : i32
      %eq3A_114 = arith.cmpi eq, %jit3A_112, %eq3A_113 : i32
      %jit3A_115 = arith.constant 1 : i32
      %select_n3A_116 = arith.select %eq3A_114, %jit3A_115, %jit3A_112 : i32
      %rem3A_117 = arith.remsi %sub3A_111, %select_n3A_116 : i32
      %ne3A_118 = arith.constant 0 : i32
      %ne3A_119 = arith.cmpi ne, %rem3A_117, %ne3A_118 : i32
      %lt3A_120 = arith.constant 0 : i32
      %lt3A_121 = arith.cmpi slt, %rem3A_117, %lt3A_120 : i32
      %lt3A_122 = arith.constant 0 : i32
      %lt3A_123 = arith.cmpi slt, %select_n3A_116, %lt3A_122 : i32
      %ne3A_124 = arith.xori %lt3A_121, %lt3A_123 : i1
      %and3A_125 = arith.andi %ne3A_124, %ne3A_119 : i1
      %add3A_126 = arith.addi %rem3A_117, %select_n3A_116 : i32
      %select_n3A_127 = arith.select %and3A_125, %add3A_126, %rem3A_117 : i32
      %roll3A = tpu.dynamic_rotate %get3A_91 by %select_n3A_127 dim 1 : vector<8x128xf32>, i32 -> vector<8x128xf32>
      %broadcast_in_dim3A_128 = arith.constant 0.000000e+00 : f32
      %broadcast_in_dim3A_129 = vector.broadcast %broadcast_in_dim3A_128 : f32 to vector<8x128xf32>
      %concatenate3A = tpu.concatenate %roll3A, %broadcast_in_dim3A_129 in 1 : vector<8x128xf32>, vector<8x128xf32> -> vector<8x256xf32>
      %lt3A_130 = arith.constant 3 : i32
      %lt3A_131 = vector.broadcast %lt3A_130 : i32 to vector<8x256xi32>
      %lt3A_132 = arith.cmpi slt, %iota3A, %lt3A_131 : vector<8x256xi32>
      %jit3A_133 = arith.constant 0.000000e+00 : f32
      %broadcast_in_dim3A_134 = vector.broadcast %jit3A_133 : f32 to vector<8x256xf32>
      %select_n3A_135 = arith.select %lt3A_132, %concatenate3A, %broadcast_in_dim3A_134 : vector<8x256xi1>, vector<8x256xf32>
      %lt3A_136 = arith.constant 3 : i32
      %lt3A_137 = vector.broadcast %lt3A_136 : i32 to vector<8x256xi32>
      %lt3A_138 = arith.cmpi slt, %iota3A, %lt3A_137 : vector<8x256xi32>
      %roll3A_139 = arith.constant 253 : i32
      %roll3A_140 = tpu.dynamic_rotate %concatenate3A by %roll3A_139 dim 1 : vector<8x256xf32>, i32 -> vector<8x256xf32>
      %jit3A_141 = arith.constant 0.000000e+00 : f32
      %broadcast_in_dim3A_142 = vector.broadcast %jit3A_141 : f32 to vector<8x256xf32>
      %select_n3A_143 = arith.select %lt3A_138, %roll3A_140, %broadcast_in_dim3A_142 : vector<8x256xi1>, vector<8x256xf32>
      %jit3A_144 = arith.constant 128 : i32
      %div3A_145 = arith.divsi %mul3A_46, %jit3A_144 : i32
      %sign3A_146 = arith.constant 0 : i32
      %sign3A_147 = arith.cmpi sgt, %mul3A_46, %sign3A_146 : i32
      %sign3A_148 = arith.extui %sign3A_147 : i1 to i32
      %sign3A_149 = arith.constant 0 : i32
      %sign3A_150 = arith.cmpi slt, %mul3A_46, %sign3A_149 : i32
      %sign3A_151 = arith.extui %sign3A_150 : i1 to i32
      %sign3A_152 = arith.subi %sign3A_148, %sign3A_151 : i32
      %sign3A_153 = arith.constant 0 : i32
      %sign3A_154 = arith.cmpi sgt, %jit3A_144, %sign3A_153 : i32
      %sign3A_155 = arith.extui %sign3A_154 : i1 to i32
      %sign3A_156 = arith.constant 0 : i32
      %sign3A_157 = arith.cmpi slt, %jit3A_144, %sign3A_156 : i32
      %sign3A_158 = arith.extui %sign3A_157 : i1 to i32
      %sign3A_159 = arith.subi %sign3A_155, %sign3A_158 : i32
      %ne3A_160 = arith.cmpi ne, %sign3A_152, %sign3A_159 : i32
      %rem3A_161 = arith.remsi %mul3A_46, %jit3A_144 : i32
      %ne3A_162 = arith.constant 0 : i32
      %ne3A_163 = arith.cmpi ne, %rem3A_161, %ne3A_162 : i32
      %and3A_164 = arith.andi %ne3A_160, %ne3A_163 : i1
      %sub3A_165 = arith.constant 1 : i32
      %sub3A_166 = arith.subi %div3A_145, %sub3A_165 : i32
      %select_n3A_167 = arith.select %and3A_164, %sub3A_166, %div3A_145 : i32
      %mul3A_168 = arith.constant 128 : i32
      %mul3A_169 = arith.muli %select_n3A_167, %mul3A_168 : i32
      %get3A_170 = arith.index_cast %mul3A_25 : i32 to index
      %get3A_171 = arith.index_cast %mul3A_169 : i32 to index
      %get3A_172 = vector.load %arg6[%get3A_170, %get3A_171] : memref<512x6400xf32, #tpu.memory_space<vmem>>, vector<8x256xf32>
      %jit3A_173 = arith.constant 128 : i32
      %eq3A_174 = arith.constant 0 : i32
      %eq3A_175 = arith.cmpi eq, %jit3A_173, %eq3A_174 : i32
      %jit3A_176 = arith.constant 1 : i32
      %select_n3A_177 = arith.select %eq3A_175, %jit3A_176, %jit3A_173 : i32
      %rem3A_178 = arith.remsi %mul3A_46, %select_n3A_177 : i32
      %ne3A_179 = arith.constant 0 : i32
      %ne3A_180 = arith.cmpi ne, %rem3A_178, %ne3A_179 : i32
      %lt3A_181 = arith.constant 0 : i32
      %lt3A_182 = arith.cmpi slt, %rem3A_178, %lt3A_181 : i32
      %lt3A_183 = arith.constant 0 : i32
      %lt3A_184 = arith.cmpi slt, %select_n3A_177, %lt3A_183 : i32
      %ne3A_185 = arith.xori %lt3A_182, %lt3A_184 : i1
      %and3A_186 = arith.andi %ne3A_185, %ne3A_180 : i1
      %add3A_187 = arith.addi %rem3A_178, %select_n3A_177 : i32
      %select_n3A_188 = arith.select %and3A_186, %add3A_187, %rem3A_178 : i32
      %roll3A_189 = tpu.dynamic_rotate %select_n3A_135 by %select_n3A_188 dim 1 : vector<8x256xf32>, i32 -> vector<8x256xf32>
      %add3A_190 = arith.addf %get3A_172, %roll3A_189 : vector<8x256xf32>
      %swap3A_191 = arith.index_cast %mul3A_25 : i32 to index
      %swap3A_192 = arith.index_cast %mul3A_169 : i32 to index
      %swap3A_193 = vector.load %arg6[%swap3A_191, %swap3A_192] : memref<512x6400xf32, #tpu.memory_space<vmem>>, vector<8x256xf32>
      tpu.vector_store %arg6[%swap3A_191, %swap3A_192], %add3A_190 {strides = array<i32>} : memref<512x6400xf32, #tpu.memory_space<vmem>>, vector<8x256xf32>,
      %jit3A_194 = arith.constant 128 : i32
      %div3A_195 = arith.divsi %mul3A_62, %jit3A_194 : i32
      %sign3A_196 = arith.constant 0 : i32
      %sign3A_197 = arith.cmpi sgt, %mul3A_62, %sign3A_196 : i32
      %sign3A_198 = arith.extui %sign3A_197 : i1 to i32
      %sign3A_199 = arith.constant 0 : i32
      %sign3A_200 = arith.cmpi slt, %mul3A_62, %sign3A_199 : i32
      %sign3A_201 = arith.extui %sign3A_200 : i1 to i32
      %sign3A_202 = arith.subi %sign3A_198, %sign3A_201 : i32
      %sign3A_203 = arith.constant 0 : i32
      %sign3A_204 = arith.cmpi sgt, %jit3A_194, %sign3A_203 : i32
      %sign3A_205 = arith.extui %sign3A_204 : i1 to i32
      %sign3A_206 = arith.constant 0 : i32
      %sign3A_207 = arith.cmpi slt, %jit3A_194, %sign3A_206 : i32
      %sign3A_208 = arith.extui %sign3A_207 : i1 to i32
      %sign3A_209 = arith.subi %sign3A_205, %sign3A_208 : i32
      %ne3A_210 = arith.cmpi ne, %sign3A_202, %sign3A_209 : i32
      %rem3A_211 = arith.remsi %mul3A_62, %jit3A_194 : i32
      %ne3A_212 = arith.constant 0 : i32
      %ne3A_213 = arith.cmpi ne, %rem3A_211, %ne3A_212 : i32
      %and3A_214 = arith.andi %ne3A_210, %ne3A_213 : i1
      %sub3A_215 = arith.constant 1 : i32
      %sub3A_216 = arith.subi %div3A_195, %sub3A_215 : i32
      %select_n3A_217 = arith.select %and3A_214, %sub3A_216, %div3A_195 : i32
      %mul3A_218 = arith.constant 128 : i32
      %mul3A_219 = arith.muli %select_n3A_217, %mul3A_218 : i32
      %get3A_220 = arith.index_cast %mul3A_25 : i32 to index
      %get3A_221 = arith.index_cast %mul3A_219 : i32 to index
      %get3A_222 = vector.load %arg6[%get3A_220, %get3A_221] : memref<512x6400xf32, #tpu.memory_space<vmem>>, vector<8x256xf32>
      %jit3A_223 = arith.constant 128 : i32
      %eq3A_224 = arith.constant 0 : i32
      %eq3A_225 = arith.cmpi eq, %jit3A_223, %eq3A_224 : i32
      %jit3A_226 = arith.constant 1 : i32
      %select_n3A_227 = arith.select %eq3A_225, %jit3A_226, %jit3A_223 : i32
      %rem3A_228 = arith.remsi %mul3A_62, %select_n3A_227 : i32
      %ne3A_229 = arith.constant 0 : i32
      %ne3A_230 = arith.cmpi ne, %rem3A_228, %ne3A_229 : i32
      %lt3A_231 = arith.constant 0 : i32
      %lt3A_232 = arith.cmpi slt, %rem3A_228, %lt3A_231 : i32
      %lt3A_233 = arith.constant 0 : i32
      %lt3A_234 = arith.cmpi slt, %select_n3A_227, %lt3A_233 : i32
      %ne3A_235 = arith.xori %lt3A_232, %lt3A_234 : i1
      %and3A_236 = arith.andi %ne3A_235, %ne3A_230 : i1
      %add3A_237 = arith.addi %rem3A_228, %select_n3A_227 : i32
      %select_n3A_238 = arith.select %and3A_236, %add3A_237, %rem3A_228 : i32
      %roll3A_239 = tpu.dynamic_rotate %select_n3A_143 by %select_n3A_238 dim 1 : vector<8x256xf32>, i32 -> vector<8x256xf32>
      %add3A_240 = arith.addf %get3A_222, %roll3A_239 : vector<8x256xf32>
      %swap3A_241 = arith.index_cast %mul3A_25 : i32 to index
      %swap3A_242 = arith.index_cast %mul3A_219 : i32 to index
      %swap3A_243 = vector.load %arg6[%swap3A_241, %swap3A_242] : memref<512x6400xf32, #tpu.memory_space<vmem>>, vector<8x256xf32>
      tpu.vector_store %arg6[%swap3A_241, %swap3A_242], %add3A_240 {strides = array<i32>} : memref<512x6400xf32, #tpu.memory_space<vmem>>, vector<8x256xf32>,
      %while3A_244 = arith.constant 0 : i32
      scf.yield %while3A_244 : i32
    }
    return
  }
  func.func @transform_0(%arg0: i32, %arg1: memref<65536xi32, #tpu.memory_space<smem>>, %arg2: memref<65536xi32, #tpu.memory_space<smem>>, %arg3: memref<65536xi32, #tpu.memory_space<smem>>, %arg4: memref<33xi32, #tpu.memory_space<smem>>) -> (i32, i32) {
    %c0_i32 = arith.constant 0 : i32
    %c0_i32_0 = arith.constant 0 : i32
    %c0_i32_1 = arith.constant 0 : i32
    return %c0_i32, %c0_i32_0 : i32, i32
  }
  func.func @transform_1(%arg0: i32, %arg1: memref<65536xi32, #tpu.memory_space<smem>>, %arg2: memref<65536xi32, #tpu.memory_space<smem>>, %arg3: memref<65536xi32, #tpu.memory_space<smem>>, %arg4: memref<33xi32, #tpu.memory_space<smem>>) -> (i32, i32) {
    %c0_i32 = arith.constant 0 : i32
    %c0_i32_0 = arith.constant 0 : i32
    return %arg0, %c0_i32 : i32, i32
  }
}

</mosaic_0001>

<sc_bundles>
// kernel: gather_offload_async_start.1
scs
__scs_entry_jumppad:
0x0: {  	(pc) =	sbr.rel $0x88, $3  }
0x1: {  	(tag) =	ssettag $0x0;
	lr =	simm.s32 $0x1  }
0x2: {  	[smem:$0x3F9A] =	sst lr;
	_ =	strace $0xD0000000  }
0x3: {  	_ = 	snop  }
0x4: {  	_ = 	snop  }
0x5: {  	_ = 	snop  }
0x6: {  	_ = 	snop  }
0x7: {  	_ = 	snop  }
__scs_overlays_trampoline_lowered:
0x8: {  	[smem:$0x3FA9] =	sst s0  }
0x9: {  	[smem:$0x3FAA] =	sst s1  }
0xa: {  	[smem:$0x3FAB] =	sst s2  }
0xb: {  	[smem:$0x3FAC] =	sst s3  }
0xc: {  	[smem:$0x3FAD] =	sst s4  }
0xd: {  	[smem:$0x3FAE] =	sst s5  }
0xe: {  	[smem:$0x3FAF] =	sst s6  }
0xf: {  	[smem:$0x3FB0] =	sst s7  }
0x10: {  	[smem:$0x3FB1] =	sst s8  }
0x11: {  	[smem:$0x3FB2] =	sst s9;
	s0 =	simm.s32 @!p0 $0x0  }
0x12: {  	s1 =	sld [smem:$0x3F98];
	s0 =	simm.s32 @p0 $0x1  }
0x13: {  	[smem:$0x3FB3] =	sst s0;
	s0 =	simm.s32 @!p1 $0x0  }
0x14: {  	s2 =	sld [smem:$0x3F97];
	s0 =	simm.s32 @p1 $0x1  }
0x15: {  	[smem:$0x3FB4] =	sst s0;
	s0 =	simm.s32 @!p2 $0x0  }
0x16: {  	s3 =	sld [smem:$0x3FDB];
	s0 =	simm.s32 @p2 $0x1  }
0x17: {  	s4 =	simm.s32 $0x1BF5;
	[smem:$0x3FB6] =	sst s0  }
0x18: {  	s0 =	sld [smem:$0x3F99];
	_ =	swait.ge [sflag:s4], $0x0  }
0x19: {  	s7 =	sld [smem:$0x3F9A]  }
0x1a: {  	s8 =	sadd.s32 $0xFFFFE003, lr  }
0x1b: {  	s9 =	sadd.s32 $0xFFFFFEF7, lr;
	s5 =	simm.s32 $0xFFFFFFFF;
	p2 =	slt.u32 s8, $0xFFFFF086  }
0x1c: {  	p1 =	slt.u32 s9, $0xF7A;
	s5 =	simm.s32 @!p2 $0x0  }
0x1d: {  	s5 =	simm.s32 @p1 $0x1;
	p0 =	seq.s32 s7, s2  }
0x1e: {  	s7 =	smul.u32 @!p0 $0xF7A, s2;
	p2 =	seq.s32 @!p0 s5, $0x0  }
0x1f: {  	s9 =	smul.u32 $0xF7A, s1;
	s8 =	simm.s32 @!p0 $0x1BF5;
	p2 =	por !p2, p0  }
0x20: {  	[sflag:s8] =	ssyncset.s32 @!p0 $0xFFFFF086;
	s6 =	sadd.s32 @!p0 s3, s7;
	s7 =	simm.s32 @!p0 $0x108  }
0x21: {  	s3 =	sadd.s32 s3, s9;
	s6 =	sadd.s32 @!p0 $0x88, s6;
	s7 =	simm.s32 @p2 $0x1082  }
0x22: {  	[simem:s7], [sflag:s8] =	dma.local @!p0 [hbm:s6], $0xF7A  }
0x23: {  	s9 =	sor.u32 $0xD0000000, s2;
	s6 =	simm.s32 $0x108;
	_ =	swait.ge @!p0 [sflag:s8], $0x0  }
0x24: {  	s3 =	sadd.s32 $0x88, s3;
	s6 =	simm.s32 @!p1 $0x1082;
	[sflag:s4] =	ssyncset.s32 $0xFFFFF086  }
0x25: {  	[simem:s6], [sflag:s4] =	dma.local [hbm:s3], $0xF7A  }
0x26: {  	[smem:$0x3F9A] =	sst s1;
	(tag) =	ssettag s2;
	_ =	strace s9  }
0x27: {  	s1 =	sld [smem:$0x3FAA]  }
0x28: {  	s2 =	sld [smem:$0x3FAB]  }
0x29: {  	s4 =	sld [smem:$0x3FAD]  }
0x2a: {  	p0 =	seq.s32 s5, $0x0;
	s5 =	sld [smem:$0x3FAE]  }
0x2b: {  	s6 =	sld [smem:$0x3FAF]  }
0x2c: {  	s7 =	sld [smem:$0x3FB0]  }
0x2d: {  	s3 =	simm.s32 $0x108;
	s8 =	sld [smem:$0x3FB1]  }
0x2e: {  	s3 =	simm.s32 @!p0 $0x1082;
	s9 =	sld [smem:$0x3FB2]  }
0x2f: {  	lr =	sadd.s32 s0, s3;
	s0 =	sld [smem:$0x3FA9]  }
0x30: {  	s3 =	sld [smem:$0x3FAC]  }
0x31: {  	[smem:$0x3FB5] =	sst s10  }
0x32: {  	s10 =	sld [smem:$0x3FB3];
	_ =	sdelay $0x3  }
0x33: {  	p0 =	seq.s32 s10, $0x1;
	s10 =	sld [smem:$0x3FB5];
	_ =	sdelay $0x3  }
0x34: {  	[smem:$0x3FB5] =	sst s10  }
0x35: {  	s10 =	sld [smem:$0x3FB4];
	_ =	sdelay $0x3  }
0x36: {  	p1 =	seq.s32 s10, $0x1;
	s10 =	sld [smem:$0x3FB5];
	_ =	sdelay $0x3  }
0x37: {  	[smem:$0x3FB5] =	sst s10  }
0x38: {  	s10 =	sld [smem:$0x3FB6]  }
0x39: {  	_ = 	snop;
	(pc) =	sbr.ind lr, $3  }
0x3a: {  	_ = 	snop  }
0x3b: {  	_ = 	snop  }
0x3c: {  	p2 =	seq.s32 s10, $0x1;
	s10 =	sld [smem:$0x3FB5]  }
0x3d: {  	_ =	shalt  }
0x3e: {  	_ =	shalt  }
0x3f: {  	_ =	shalt  }
0x40: {  	_ =	shalt  }
0x41: {  	_ =	shalt  }
0x42: {  	_ =	shalt  }
0x43: {  	_ =	shalt  }
0x44: {  	_ =	shalt  }
0x45: {  	_ =	shalt  }
0x46: {  	_ =	shalt  }
0x47: {  	_ =	shalt  }
0x48: {  	_ =	shalt  }
0x49: {  	_ =	shalt  }
0x4a: {  	_ =	shalt  }
0x4b: {  	_ =	shalt  }
0x4c: {  	_ =	shalt  }
0x4d: {  	_ =	shalt  }
0x4e: {  	_ =	shalt  }
0x4f: {  	_ =	shalt  }
0x50: {  	_ =	shalt  }
0x51: {  	_ =	shalt  }
0x52: {  	_ =	shalt  }
0x53: {  	_ =	shalt  }
0x54: {  	_ =	shalt  }
0x55: {  	_ =	shalt  }
0x56: {  	_ =	shalt  }
0x57: {  	_ =	shalt  }
0x58: {  	_ =	shalt  }
0x59: {  	_ =	shalt  }
0x5a: {  	_ =	shalt  }
0x5b: {  	_ =	shalt  }
0x5c: {  	_ =	shalt  }
0x5d: {  	_ =	shalt  }
0x5e: {  	_ =	shalt  }
0x5f: {  	_ =	shalt  }
0x60: {  	_ =	shalt  }
0x61: {  	_ =	shalt  }
0x62: {  	_ =	shalt  }
0x63: {  	_ =	shalt  }
0x64: {  	_ =	shalt  }
0x65: {  	_ =	shalt  }
0x66: {  	_ =	shalt  }
0x67: {  	_ =	shalt  }
0x68: {  	_ =	shalt  }
0x69: {  	_ =	shalt  }
0x6a: {  	_ =	shalt  }
0x6b: {  	_ =	shalt  }
0x6c: {  	_ =	shalt  }
0x6d: {  	_ =	shalt  }
0x6e: {  	_ =	shalt  }
0x6f: {  	_ =	shalt  }
0x70: {  	_ =	shalt  }
0x71: {  	_ =	shalt  }
0x72: {  	_ =	shalt  }
0x73: {  	_ =	shalt  }
0x74: {  	_ =	shalt  }
0x75: {  	_ =	shalt  }
0x76: {  	_ =	shalt  }
0x77: {  	_ =	shalt  }
0x78: {  	_ =	shalt  }
0x79: {  	_ =	shalt  }
0x7a: {  	_ =	shalt  }
0x7b: {  	_ =	shalt  }
0x7c: {  	_ =	shalt  }
0x7d: {  	_ =	shalt  }
0x7e: {  	_ =	shalt  }
0x7f: {  	_ =	shalt  }
0x80: {  	_ =	shalt  }
0x81: {  	_ =	shalt  }
0x82: {  	_ =	shalt  }
0x83: {  	_ =	shalt  }
0x84: {  	_ =	shalt  }
0x85: {  	_ =	shalt  }
0x86: {  	_ =	shalt  }
0x87: {  	_ =	shalt  }
.Lfunc_end0:
.L_simem_size_0:
called_computation.1_lowered:
.L_overlay_start_0:
0x88: {  	s2 =	sld [smem:$0x3FD9]  }
0x89: {  	s3 =	sld [smem:$0x3FFE];
	_ =	sdelay $0x1  }
0x8a: {  	s1 =	srdreg.scid  }
0x8b: {  	s0 =	sand.u32 $0x1, s1  }
0x8c: {  	s16 =	sshll.u32 s0, $0xA;
	s2 =	sadd.s32 s3, s2  }
0x8d: {  	s2 =	sadd.s32 s2, s16  }
0x8e: {  	[smem:$0x3FC1] =	sst s2  }
0x8f: {  	_ = 	snop  }
0x90: {  	(tm) =	ssettm $0x1  }
0x91: {  	s17 =	sld [smem:$0x3FFB];
	_ =	sdelay $0x3  }
0x92: {  	_ =	strace s17  }
0x93: {  	s2 =	sld [smem:$0x3FFC];
	_ =	sdelay $0x3  }
0x94: {  	_ =	strace s2  }
0x95: {  	s2 =	sld [smem:$0x3FFD];
	_ =	sdelay $0x3  }
0x96: {  	_ =	strace s2  }
0x97: {  	_ =	strace $0x8FFFFFFF  }
0x98: {  	s18 =	sld [smem:$0x3FDB];
	_ =	sdelay $0x1  }
0x99: {  	s19 =	simm.s32 $_scs_section_size  }
0x9a: {  	s4 =	simm.s32 $_size__tile_overlayer_lowered;
	s5 =	simm.s32 $_tile_overlayer_lowered  }
0x9b: {  	s22 =	simm.s32 $0x1BFF;
	s21 =	sshll.u32 s5, $0x1;
	s2 =	sadd.s32 s19, s18  }
0x9c: {  	s6 =	simm.s32 $0x0;
	s20 =	sshll.u32 s4, $0x1;
	s4 =	sadd.s32 s21, s2  }
0x9d: {  	[timem:s6], [sflag:s22] =	dma.local [hbm:s4], s20  }
0x9e: {  	_ =	swait.ge [sflag:s22], s20  }
0x9f: {  	s3 =	ssub.s32 $0x0, s20;
	[sflag:s22] =	ssyncset.done $0x0  }
0xa0: {  	[sflag:s22] =	ssyncadd.s32 s3;
	_ =	sdelay $0x1  }
0xa1: {  	s23 =	simm.s32 $0x1B8B  }
0xa2: {  	_ =	swait.ge [sflag:s23], $0x1  }
0xa3: {  	[sflag:s23] =	ssyncset.done $0x0  }
0xa4: {  	s25 =	simm.s32 $0x1B8E;
	s24 =	sld [smem:$0x3FFE];
	[sflag:s23] =	ssyncadd.s32 $0xFFFFFFFF  }
0xa5: {  	s26 =	simm.s32 $execute0_lowered;
	[smem:$0x3FD2] =	sst s25  }
0xa6: {  	s4 =	sshll.u32 s26, $0x1;
	_ =	strace $0x80000049;
	[dreg:$0x1] =	wrdreg $0xFFFFFFFF  }
0xa7: {  	s28 =	simm.s32 $_size_execute0_lowered;
	s2 =	sadd.s32 s2, s4;
	[dreg:$0x0] =	wrdreg $0x0  }
0xa8: {  	s4 =	sshll.u32 s28, $0x1;
	[dreg:$0x2] =	wrdreg s2  }
0xa9: {  	[dreg:$0x3] =	wrdreg s4  }
0xaa: {  	[dreg:$0x4] =	wrdreg $0xC0  }
0xab: {  	_ =	task [dreg:s6], $0x5FFFF  }
0xac: {  	[dreg:$0x1] =	wrdreg $0xFFFFFFFF  }
0xad: {  	[dreg:$0x0] =	wrdreg $0x60  }
0xae: {  	[dreg:$0x2] =	wrdreg s24  }
0xaf: {  	[dreg:$0x3] =	wrdreg $0x9  }
0xb0: {  	_ =	task.clear_ibuf [dreg:s6], $0x4FFFF;
	_ =	strace $0x90000049  }
0xb1: {  	s29 =	simm.s32 $0x9;
	_ =	strace $0x8000004B  }
0xb2: {  	_ =	swait.ge [sflag:s29], $0x1  }
0xb3: {  	[sflag:s29] =	ssyncadd.s32 $0xFFFFFFFF  }
0xb4: {  	_ =	strace $0x9000004B  }
0xb5: {  	_ =	sfence  }
0xb6: {  	s30 =	sld [smem:$0x0];
	_ =	sdelay $0x2  }
0xb7: {  	s31 =	sshll.u32 s1, $0xD;
	s1 =	sshrl.u32 s1, $0x2  }
0xb8: {  	s3 =	sand.u32 $0x4000, s31;
	s1 =	sadd.s32 s1, s30  }
0xb9: {  	s0 =	sor.u32 s3, s0;
	s1 =	sshll.u32 s1, $0x11  }
0xba: {  	s0 =	sor.u32 s1, s0  }
0xbb: {  	s0 =	sadd.s32 $0x8F2B, s0  }
0xbc: {  	[sflag:s0] =	ssyncadd.remote.s32 $0x1  }
0xbd: {  	_ =	sfence.sel $0xFFFF  }
0xbe: {  	[dreg:$0x0] =	wrdreg $0xFFFFFFFF;
	(pc) =	sbr.abs _section_cstart, $3  }
0xbf: {  	[dreg:$0x1] =	wrdreg $0xFFFFFFFF  }
0xc0: {  	_ =	task.clear_ibuf [dreg:s6], $0x2FFFF;
	_ =	strace $0x9FFFFFFF  }
0xc1: {  	(tm) =	ssettm $0x7FFFFFFF  }
tec
execute0_lowered:
.L_overlay_start_1:
0x0: {  	(tag) =	ssettag $0x1  }
0x1: {  	s0 =	srdreg.scid;
	s5 =	rddreg [dreg:$0x0]  }
0x2: {  	s1 =	stileid.u32;
	s6 =	simm.s32 $0x1;
	s9 =	simm.s32 $0x1  }
0x3: {  	s10 =	simm.s32 $0x3;
	s13 =	simm.s32 $0x0;
	s2 =	sshll.u32 s0, $0xA  }
0x4: {  	s12 =	simm.s32 $0x0;
	s3 =	sshll.u32 s1, $0xB;
	s2 =	sand.u32 $0x400, s2  }
0x5: {  	s0 =	rddreg [dreg:$0x1];
	_ =	strace $0x8000004A;
	s2 =	sor.u32 s3, s2  }
0x6: {  	s4 =	sadd.s32 $0x6600, s5;
	[sflag:s6] =	ssyncpa.u1 $0x0;
	s8 =	ssub.s32 $0x10000, s2  }
.Ltmp0:
0x7: {  	s3 =	sadd.s32 $0x8600, s5;
	s7 =	sand.u32 $0x7C00, s8;
	(pc) =	sbr.rel .LBB2_1-.Ltmp0, $4  }
0x8: {  	s5 =	sadd.s32 $0x2200, s5;
	s11 =	smov.u32 s2;
	p0 =	sne.s32 s7, $0x0  }
0x9: {  	s8 =	sshrl.u32 s8, $0xF;
	s7 =	simm.s32 $0x2;
	s9 =	simm.s32 @!p0 $0x0  }
0xa: {  	[sflag:s7] =	ssyncpa.u1 $0x0;
	p0 =	por $0x0, $0x0;
	s8 =	sadd.s32 s9, s8  }
0xb: {  	vm0 =	vmmov $0xffff;
	[sflag:s10] =	ssyncpa.u1 $0x0;
	s10 =	simm.s32 $0x0;
	s9 =	sadd.s32 $0x1, s8  }
.LBB2_4:
0xc: {  	v2 =	vnsel vm1, $0x0, v2  }
0xd: {  	vm1 =	vgt.s32 v0, $0x0;
	v2 =	vmin.u32 v2, $0xFFFF  }
0xe: {  	v0 =	vnsel vm1, $0x0, v0  }
0xf: {  	v0 =	vmin.u32 v0, $0xFFFF  }
0x10: {  	[tilespmem:s15], [sflag:$0x1] =	stream.indirect_vreg.gather [hbm4b:s3+s10], $0x1, v1, vm0, $0x4038;
	[tilespmem:$0x1000] =	vst v63  }
0x11: {  	(ifvalue) =	ssetifvalue $0x7FFFFFFF  }
0x12: {  	[tilespmem:s16], [sflag:$0x1] =	stream.indirect_vreg.gather [hbm4b:s3+s10], $0x1, v2, vm0, $0x4038;
	[tilespmem:$0x1000] =	vst v63  }
0x13: {  	s29 =	sadd.s32 $0x10, s16;
	(ifvalue) =	ssetifvalue $0x7FFFFFFF  }
0x14: {  	[tilespmem:s29], [sflag:$0x1] =	stream.indirect_vreg.gather [hbm4b:s3+s10], $0x1, v0, vm0, $0x4038;
	[tilespmem:$0x1000] =	vst v63  }
0x15: {  	_ =	swait.ge [sflag:s6], $0x400  }
0x16: {  	s30 =	sshrl.u32 s13, $0x3;
	[sflag:s6] =	ssyncset.done $0x0  }
0x17: {  	s31 =	sand.u32 $0x7, s13;
	s15 =	sadd.s32 s5, s30;
	[sflag:s6] =	ssyncadd.s32 $0xFFFFFC00  }
0x18: {  	[hbm4b:s15+s31] =	stream.linear.scatter [tilespmem:s14], [sflag:$0x3], $0x400, $0x38;
	[tilespmem:$0x1000] =	vst v63  }
.LBB2_5:
0x19: {  	s15 =	sadd.s32 $0x8000, s11  }
0x1a: {  	p2 =	sgt.s32 s15, $0xFFFF  }
0x1b: {  	s15 =	smov.u32 @p2 s2;
	p2 =	sne.s32 s12, s9  }
.Ltmp1:
0x1c: {  	p1 =	slt.u32 s12, $0x2;
	(pc) =	sbr.rel @!p2 .LBB2_6-.Ltmp1, $4  }
0x1d: {  	s14 =	simm.s32 @!p1 $0x3  }
0x1e: {  	s16 =	sadd.s32 $0x1, s12;
	_ =	swait.ge @!p1 [sflag:s14], $0x400  }
0x1f: {  	s13 =	smov.u32 s11;
	p0 =	por !p0, !p0;
	[sflag:s14] =	ssyncset.done @!p1 $0x0  }
0x20: {  	s12 =	smov.u32 s16;
	s11 =	smov.u32 s15;
	[sflag:s14] =	ssyncadd.s32 @!p1 $0xFFFFFC00  }
.LBB2_1:
0x21: {  	p1 =	sge.u32 s12, s8  }
0x22: {  	s14 =	sxor.u32 @!p1 $0xFFFFFFFF, s12  }
0x23: {  	s31 =	sadd.s32 $0xFFFFFFFF, s12;
	s15 =	sshrl.u32 @!p1 s11, $0x3;
	s14 =	sshll.u32 @!p1 s14, $0xA  }
0x24: {  	s16 =	sand.u32 @!p1 $0x7, s11;
	s15 =	sadd.s32 @!p1 s4, s15;
	s14 =	sand.u32 @!p1 $0x400, s14  }
0x25: {  	[tilespmem:s14], [sflag:$0x2] =	stream.linear.gather @!p1 [hbm4b:s15+s16], $0x400, $0x38;
	[tilespmem:$0x1000] =	vst v63  }
0x26: {  	p1 =	sge.u32 s31, s8  }
.Ltmp2:
0x27: {  	_ = 	snop;
	(pc) =	sbr.rel @p1 .LBB2_5-.Ltmp2, $1  }
0x28: {  	_ =	sdelay $0x3  }
0x29: {  	s14 =	simm.s32 $0x1  }
0x2a: {  	_ =	swait.ge [sflag:s7], $0x400;
	s14 =	simm.s32 @!p0 $0x0  }
0x2b: {  	[sflag:s7] =	ssyncset.done $0x0;
	s14 =	sshll.u32 s14, $0xA  }
0x2c: {  	[sflag:s7] =	ssyncadd.s32 $0xFFFFFC00;
	(ifvalue) =	ssetifvalue $0x7FFFFFFF;
	v0 =	vld.msk [tilespmem:s14+$0x0 ss:$0x1], $0xffff;
	_ =	sdelay $0x4  }
0x2d: {  	s15 =	sadd.s32 $0x10, s14;
	vm1 =	vgt.s32 v0, $0x0  }
0x2e: {  	v2 =	vld.msk [tilespmem:s15+$0x0 ss:$0x1], $0xffff;
	v1 =	vnsel vm1, $0x0, v0  }
0x2f: {  	v1 =	vmin.u32 v1, $0xFFFF;
	_ =	sdelay $0x1  }
0x30: {  	s16 =	sshll.u32 s12, $0xA;
	s18 =	simm.s32 $0x20  }
0x31: {  	s16 =	sand.u32 $0x400, s16;
	s17 =	sadd.s32 $0x10, s15;
	s15 =	sor.u32 $0x800, s14  }
0x32: {  	s14 =	sor.u32 $0x800, s16;
	s16 =	sadd.s32 $0x10, s15;
	v0 =	vld.msk [tilespmem:s17+$0x0 ss:$0x1], $0xffff;
	vm1 =	vgt.s32 v2, $0x0;
	(ifvalue) =	ssetifvalue $0x7FFFFFFF  }
.LBB2_3:
0x33: {  	[tilespmem:s15], [sflag:$0x1] =	stream.indirect_vreg.gather [hbm4b:s3+s10], $0x1, v1, vm0, $0x4038;
	[tilespmem:$0x1000] =	vst v63  }
0x34: {  	s18 =	sadd.s32 $0x10, s18  }
0x35: {  	v2 =	vnsel vm1, $0x0, v2;
	p1 =	slt.u32 s18, $0x3F0  }
.Ltmp3:
0x36: {  	s15 =	smov.u32 s16;
	v1 =	vmin.u32 v2, $0xFFFF;
	(pc) =	sbr.rel @p1 .LBB2_3-.Ltmp3, $3  }
0x37: {  	_ =	sdelay $0x1  }
0x38: {  	s17 =	sadd.s32 $0x10, s17  }
0x39: {  	vm1 =	vgt.s32 v0, $0x0;
	s16 =	sadd.s32 $0x10, s16;
	v2 =	vmov v0;
	(ifvalue) =	ssetifvalue $0x7FFFFFFF;
	v0 =	vld.msk [tilespmem:s17+$0x0 ss:$0x1], $0xffff  }
.Ltmp4:
0x3a: {  	_ = 	snop;
	(pc) =	sbr.rel .LBB2_4-.Ltmp4, $1  }
0x3b: {  	_ =	sdelay $0x3  }
.LBB2_6:
0x3c: {  	_ =	sfence.sel $0x180000  }
0x3d: {  	s2 =	simm.s32 $0x2;
	[bflag:$0x0] =	sbarrier.arrive $0xFFFF  }
0x3e: {  	s30 =	simm.s32 $0x3;
	[sflag:s2] =	ssyncpa.u1 $0x1  }
0x3f: {  	s31 =	simm.s32 $0x1;
	[sflag:s30] =	ssyncpa.u1 $0x1  }
0x40: {  	[sflag:s31] =	ssyncpa.u1 $0x1  }
0x41: {  	p0 =	sne.s32 s1, $0x0;
	_ =	strace $0x9000004A  }
0x42: {  	s0 =	sadd.s32 @!p0 $0x100000, s0;
	[bflag:$0x2] =	sbarrier.arrive $0xFFFF  }
0x43: {  	[sflag:s0] =	ssyncadd.tile.s32 @!p0 $0x1;
	_ =	shalt  }
.Lfunc_end2:
_tile_overlayer_lowered:
.L_overlay_start_2:
0x44: {  	(tag) =	ssettag $0x2  }
0x45: {  	s0 =	rddreg [dreg:$0x0];
	s2 =	stileid.u32  }
0x46: {  	s1 =	rddreg [dreg:$0x1];
	p0 =	sne.s32 s2, $0x0  }
0x47: {  	s3 =	rddreg [dreg:$0x2];
	[bflag:$0x3] =	sbarrier.arrive $0xFFFF;
	s2 =	simm.s32 @!p0 $0x1C01  }
0x48: {  	[timem:s3], [sflag:s2] =	dma.local @!p0 [hbm:s0], s1  }
0x49: {  	s0 =	simm.s32 @!p0 $0x1  }
0x4a: {  	_ =	swait.ge @!p0 [sflag:s0], s1  }
0x4b: {  	s1 =	ssub.s32 @!p0 $0x0, s1;
	[sflag:s0] =	ssyncset.done @!p0 $0x0  }
0x4c: {  	[sflag:s0] =	ssyncadd.s32 @!p0 s1  }
0x4d: {  	[bflag:$0x3] =	sbarrier.arrive $0xFFFF  }
0x4e: {  	_ =	shalt  }

// kernel: gather_offload_async_start
scs
__scs_entry_jumppad:
0x0: {  	(pc) =	sbr.rel $0x88, $3  }
0x1: {  	(tag) =	ssettag $0x0;
	lr =	simm.s32 $0x1  }
0x2: {  	[smem:$0x3F9A] =	sst lr;
	_ =	strace $0xD0000000  }
0x3: {  	_ = 	snop  }
0x4: {  	_ = 	snop  }
0x5: {  	_ = 	snop  }
0x6: {  	_ = 	snop  }
0x7: {  	_ = 	snop  }
__scs_overlays_trampoline_lowered:
0x8: {  	[smem:$0x3FA9] =	sst s0  }
0x9: {  	[smem:$0x3FAA] =	sst s1  }
0xa: {  	[smem:$0x3FAB] =	sst s2  }
0xb: {  	[smem:$0x3FAC] =	sst s3  }
0xc: {  	[smem:$0x3FAD] =	sst s4  }
0xd: {  	[smem:$0x3FAE] =	sst s5  }
0xe: {  	[smem:$0x3FAF] =	sst s6  }
0xf: {  	[smem:$0x3FB0] =	sst s7  }
0x10: {  	[smem:$0x3FB1] =	sst s8  }
0x11: {  	[smem:$0x3FB2] =	sst s9;
	s0 =	simm.s32 @!p0 $0x0  }
0x12: {  	s1 =	sld [smem:$0x3F98];
	s0 =	simm.s32 @p0 $0x1  }
0x13: {  	[smem:$0x3FB3] =	sst s0;
	s0 =	simm.s32 @!p1 $0x0  }
0x14: {  	s2 =	sld [smem:$0x3F97];
	s0 =	simm.s32 @p1 $0x1  }
0x15: {  	[smem:$0x3FB4] =	sst s0;
	s0 =	simm.s32 @!p2 $0x0  }
0x16: {  	s3 =	sld [smem:$0x3FDB];
	s0 =	simm.s32 @p2 $0x1  }
0x17: {  	s4 =	simm.s32 $0x1BF5;
	[smem:$0x3FB6] =	sst s0  }
0x18: {  	s0 =	sld [smem:$0x3F99];
	_ =	swait.ge [sflag:s4], $0x0  }
0x19: {  	s7 =	sld [smem:$0x3F9A]  }
0x1a: {  	s8 =	sadd.s32 $0xFFFFE003, lr  }
0x1b: {  	s9 =	sadd.s32 $0xFFFFFEF7, lr;
	s5 =	simm.s32 $0xFFFFFFFF;
	p2 =	slt.u32 s8, $0xFFFFF086  }
0x1c: {  	p1 =	slt.u32 s9, $0xF7A;
	s5 =	simm.s32 @!p2 $0x0  }
0x1d: {  	s5 =	simm.s32 @p1 $0x1;
	p0 =	seq.s32 s7, s2  }
0x1e: {  	s7 =	smul.u32 @!p0 $0xF7A, s2;
	p2 =	seq.s32 @!p0 s5, $0x0  }
0x1f: {  	s9 =	smul.u32 $0xF7A, s1;
	s8 =	simm.s32 @!p0 $0x1BF5;
	p2 =	por !p2, p0  }
0x20: {  	[sflag:s8] =	ssyncset.s32 @!p0 $0xFFFFF086;
	s6 =	sadd.s32 @!p0 s3, s7;
	s7 =	simm.s32 @!p0 $0x108  }
0x21: {  	s3 =	sadd.s32 s3, s9;
	s6 =	sadd.s32 @!p0 $0x88, s6;
	s7 =	simm.s32 @p2 $0x1082  }
0x22: {  	[simem:s7], [sflag:s8] =	dma.local @!p0 [hbm:s6], $0xF7A  }
0x23: {  	s9 =	sor.u32 $0xD0000000, s2;
	s6 =	simm.s32 $0x108;
	_ =	swait.ge @!p0 [sflag:s8], $0x0  }
0x24: {  	s3 =	sadd.s32 $0x88, s3;
	s6 =	simm.s32 @!p1 $0x1082;
	[sflag:s4] =	ssyncset.s32 $0xFFFFF086  }
0x25: {  	[simem:s6], [sflag:s4] =	dma.local [hbm:s3], $0xF7A  }
0x26: {  	[smem:$0x3F9A] =	sst s1;
	(tag) =	ssettag s2;
	_ =	strace s9  }
0x27: {  	s1 =	sld [smem:$0x3FAA]  }
0x28: {  	s2 =	sld [smem:$0x3FAB]  }
0x29: {  	s4 =	sld [smem:$0x3FAD]  }
0x2a: {  	p0 =	seq.s32 s5, $0x0;
	s5 =	sld [smem:$0x3FAE]  }
0x2b: {  	s6 =	sld [smem:$0x3FAF]  }
0x2c: {  	s7 =	sld [smem:$0x3FB0]  }
0x2d: {  	s3 =	simm.s32 $0x108;
	s8 =	sld [smem:$0x3FB1]  }
0x2e: {  	s3 =	simm.s32 @!p0 $0x1082;
	s9 =	sld [smem:$0x3FB2]  }
0x2f: {  	lr =	sadd.s32 s0, s3;
	s0 =	sld [smem:$0x3FA9]  }
0x30: {  	s3 =	sld [smem:$0x3FAC]  }
0x31: {  	[smem:$0x3FB5] =	sst s10  }
0x32: {  	s10 =	sld [smem:$0x3FB3];
	_ =	sdelay $0x3  }
0x33: {  	p0 =	seq.s32 s10, $0x1;
	s10 =	sld [smem:$0x3FB5];
	_ =	sdelay $0x3  }
0x34: {  	[smem:$0x3FB5] =	sst s10  }
0x35: {  	s10 =	sld [smem:$0x3FB4];
	_ =	sdelay $0x3  }
0x36: {  	p1 =	seq.s32 s10, $0x1;
	s10 =	sld [smem:$0x3FB5];
	_ =	sdelay $0x3  }
0x37: {  	[smem:$0x3FB5] =	sst s10  }
0x38: {  	s10 =	sld [smem:$0x3FB6]  }
0x39: {  	_ = 	snop;
	(pc) =	sbr.ind lr, $3  }
0x3a: {  	_ = 	snop  }
0x3b: {  	_ = 	snop  }
0x3c: {  	p2 =	seq.s32 s10, $0x1;
	s10 =	sld [smem:$0x3FB5]  }
0x3d: {  	_ =	shalt  }
0x3e: {  	_ =	shalt  }
0x3f: {  	_ =	shalt  }
0x40: {  	_ =	shalt  }
0x41: {  	_ =	shalt  }
0x42: {  	_ =	shalt  }
0x43: {  	_ =	shalt  }
0x44: {  	_ =	shalt  }
0x45: {  	_ =	shalt  }
0x46: {  	_ =	shalt  }
0x47: {  	_ =	shalt  }
0x48: {  	_ =	shalt  }
0x49: {  	_ =	shalt  }
0x4a: {  	_ =	shalt  }
0x4b: {  	_ =	shalt  }
0x4c: {  	_ =	shalt  }
0x4d: {  	_ =	shalt  }
0x4e: {  	_ =	shalt  }
0x4f: {  	_ =	shalt  }
0x50: {  	_ =	shalt  }
0x51: {  	_ =	shalt  }
0x52: {  	_ =	shalt  }
0x53: {  	_ =	shalt  }
0x54: {  	_ =	shalt  }
0x55: {  	_ =	shalt  }
0x56: {  	_ =	shalt  }
0x57: {  	_ =	shalt  }
0x58: {  	_ =	shalt  }
0x59: {  	_ =	shalt  }
0x5a: {  	_ =	shalt  }
0x5b: {  	_ =	shalt  }
0x5c: {  	_ =	shalt  }
0x5d: {  	_ =	shalt  }
0x5e: {  	_ =	shalt  }
0x5f: {  	_ =	shalt  }
0x60: {  	_ =	shalt  }
0x61: {  	_ =	shalt  }
0x62: {  	_ =	shalt  }
0x63: {  	_ =	shalt  }
0x64: {  	_ =	shalt  }
0x65: {  	_ =	shalt  }
0x66: {  	_ =	shalt  }
0x67: {  	_ =	shalt  }
0x68: {  	_ =	shalt  }
0x69: {  	_ =	shalt  }
0x6a: {  	_ =	shalt  }
0x6b: {  	_ =	shalt  }
0x6c: {  	_ =	shalt  }
0x6d: {  	_ =	shalt  }
0x6e: {  	_ =	shalt  }
0x6f: {  	_ =	shalt  }
0x70: {  	_ =	shalt  }
0x71: {  	_ =	shalt  }
0x72: {  	_ =	shalt  }
0x73: {  	_ =	shalt  }
0x74: {  	_ =	shalt  }
0x75: {  	_ =	shalt  }
0x76: {  	_ =	shalt  }
0x77: {  	_ =	shalt  }
0x78: {  	_ =	shalt  }
0x79: {  	_ =	shalt  }
0x7a: {  	_ =	shalt  }
0x7b: {  	_ =	shalt  }
0x7c: {  	_ =	shalt  }
0x7d: {  	_ =	shalt  }
0x7e: {  	_ =	shalt  }
0x7f: {  	_ =	shalt  }
0x80: {  	_ =	shalt  }
0x81: {  	_ =	shalt  }
0x82: {  	_ =	shalt  }
0x83: {  	_ =	shalt  }
0x84: {  	_ =	shalt  }
0x85: {  	_ =	shalt  }
0x86: {  	_ =	shalt  }
0x87: {  	_ =	shalt  }
.Lfunc_end0:
.L_simem_size_0:
called_computation_lowered:
.L_overlay_start_0:
0x88: {  	s2 =	sld [smem:$0x3FD9]  }
0x89: {  	s3 =	sld [smem:$0x3FFE];
	_ =	sdelay $0x1  }
0x8a: {  	s1 =	srdreg.scid  }
0x8b: {  	s0 =	sand.u32 $0x1, s1  }
0x8c: {  	s16 =	sshll.u32 s0, $0xA;
	s2 =	sadd.s32 s3, s2  }
0x8d: {  	s2 =	sadd.s32 s2, s16  }
0x8e: {  	[smem:$0x3FC1] =	sst s2  }
0x8f: {  	_ = 	snop  }
0x90: {  	(tm) =	ssettm $0x1  }
0x91: {  	s17 =	sld [smem:$0x3FFB];
	_ =	sdelay $0x3  }
0x92: {  	_ =	strace s17  }
0x93: {  	s2 =	sld [smem:$0x3FFC];
	_ =	sdelay $0x3  }
0x94: {  	_ =	strace s2  }
0x95: {  	s2 =	sld [smem:$0x3FFD];
	_ =	sdelay $0x3  }
0x96: {  	_ =	strace s2  }
0x97: {  	_ =	strace $0x8FFFFFFF  }
0x98: {  	s18 =	sld [smem:$0x3FDB];
	_ =	sdelay $0x1  }
0x99: {  	s19 =	simm.s32 $_scs_section_size  }
0x9a: {  	s4 =	simm.s32 $_size__tile_overlayer_lowered;
	s5 =	simm.s32 $_tile_overlayer_lowered  }
0x9b: {  	s22 =	simm.s32 $0x1BFF;
	s21 =	sshll.u32 s5, $0x1;
	s2 =	sadd.s32 s19, s18  }
0x9c: {  	s6 =	simm.s32 $0x0;
	s20 =	sshll.u32 s4, $0x1;
	s4 =	sadd.s32 s21, s2  }
0x9d: {  	[timem:s6], [sflag:s22] =	dma.local [hbm:s4], s20  }
0x9e: {  	_ =	swait.ge [sflag:s22], s20  }
0x9f: {  	s3 =	ssub.s32 $0x0, s20;
	[sflag:s22] =	ssyncset.done $0x0  }
0xa0: {  	[sflag:s22] =	ssyncadd.s32 s3;
	_ =	sdelay $0x1  }
0xa1: {  	s23 =	simm.s32 $0x1B8B  }
0xa2: {  	_ =	swait.ge [sflag:s23], $0x1  }
0xa3: {  	[sflag:s23] =	ssyncset.done $0x0  }
0xa4: {  	s25 =	simm.s32 $0x1B8E;
	s24 =	sld [smem:$0x3FFE];
	[sflag:s23] =	ssyncadd.s32 $0xFFFFFFFF  }
0xa5: {  	s26 =	simm.s32 $execute0_lowered;
	[smem:$0x3FD2] =	sst s25  }
0xa6: {  	s4 =	sshll.u32 s26, $0x1;
	_ =	strace $0x80000046;
	[dreg:$0x1] =	wrdreg $0xFFFFFFFF  }
0xa7: {  	s28 =	simm.s32 $_size_execute0_lowered;
	s2 =	sadd.s32 s2, s4;
	[dreg:$0x0] =	wrdreg $0x0  }
0xa8: {  	s4 =	sshll.u32 s28, $0x1;
	[dreg:$0x2] =	wrdreg s2  }
0xa9: {  	[dreg:$0x3] =	wrdreg s4  }
0xaa: {  	[dreg:$0x4] =	wrdreg $0xC0  }
0xab: {  	_ =	task [dreg:s6], $0x5FFFF  }
0xac: {  	[dreg:$0x1] =	wrdreg $0xFFFFFFFF  }
0xad: {  	[dreg:$0x0] =	wrdreg $0x60  }
0xae: {  	[dreg:$0x2] =	wrdreg s24  }
0xaf: {  	[dreg:$0x3] =	wrdreg $0x9  }
0xb0: {  	_ =	task.clear_ibuf [dreg:s6], $0x4FFFF;
	_ =	strace $0x90000046  }
0xb1: {  	s29 =	simm.s32 $0x9;
	_ =	strace $0x80000048  }
0xb2: {  	_ =	swait.ge [sflag:s29], $0x1  }
0xb3: {  	[sflag:s29] =	ssyncadd.s32 $0xFFFFFFFF  }
0xb4: {  	_ =	strace $0x90000048  }
0xb5: {  	_ =	sfence  }
0xb6: {  	s30 =	sld [smem:$0x0];
	_ =	sdelay $0x2  }
0xb7: {  	s31 =	sshll.u32 s1, $0xD;
	s1 =	sshrl.u32 s1, $0x2  }
0xb8: {  	s3 =	sand.u32 $0x4000, s31;
	s1 =	sadd.s32 s1, s30  }
0xb9: {  	s0 =	sor.u32 s3, s0;
	s1 =	sshll.u32 s1, $0x11  }
0xba: {  	s0 =	sor.u32 s1, s0  }
0xbb: {  	s0 =	sadd.s32 $0x8F2B, s0  }
0xbc: {  	[sflag:s0] =	ssyncadd.remote.s32 $0x1  }
0xbd: {  	_ =	sfence.sel $0xFFFF  }
0xbe: {  	[dreg:$0x0] =	wrdreg $0xFFFFFFFF;
	(pc) =	sbr.abs _section_cstart, $3  }
0xbf: {  	[dreg:$0x1] =	wrdreg $0xFFFFFFFF  }
0xc0: {  	_ =	task.clear_ibuf [dreg:s6], $0x2FFFF;
	_ =	strace $0x9FFFFFFF  }
0xc1: {  	(tm) =	ssettm $0x7FFFFFFF  }
tec
execute0_lowered:
.L_overlay_start_1:
0x0: {  	(tag) =	ssettag $0x1  }
0x1: {  	s0 =	srdreg.scid;
	s5 =	rddreg [dreg:$0x0]  }
0x2: {  	s1 =	stileid.u32;
	s6 =	simm.s32 $0x1;
	s9 =	simm.s32 $0x1  }
0x3: {  	s10 =	simm.s32 $0x3;
	s13 =	simm.s32 $0x0;
	s2 =	sshll.u32 s0, $0xA  }
0x4: {  	s12 =	simm.s32 $0x0;
	s3 =	sshll.u32 s1, $0xB;
	s2 =	sand.u32 $0x400, s2  }
0x5: {  	s0 =	rddreg [dreg:$0x1];
	_ =	strace $0x80000047;
	s2 =	sor.u32 s3, s2  }
0x6: {  	s4 =	sadd.s32 $0x6600, s5;
	[sflag:s6] =	ssyncpa.u1 $0x0;
	s8 =	ssub.s32 $0x10000, s2  }
.Ltmp0:
0x7: {  	s3 =	sadd.s32 $0x2600, s5;
	s7 =	sand.u32 $0x7C00, s8;
	(pc) =	sbr.rel .LBB2_1-.Ltmp0, $4  }
0x8: {  	s5 =	sadd.s32 $0x80A600, s5;
	s11 =	smov.u32 s2;
	p0 =	sne.s32 s7, $0x0  }
0x9: {  	s8 =	sshrl.u32 s8, $0xF;
	s7 =	simm.s32 $0x2;
	s9 =	simm.s32 @!p0 $0x0  }
0xa: {  	[sflag:s7] =	ssyncpa.u1 $0x0;
	p0 =	por $0x0, $0x0;
	s8 =	sadd.s32 s9, s8  }
0xb: {  	vm0 =	vmmov $0xffff;
	[sflag:s10] =	ssyncpa.u1 $0x0;
	s10 =	simm.s32 $0x0;
	s9 =	sadd.s32 $0x1, s8  }
.LBB2_4:
0xc: {  	v2 =	vnsel vm1, $0x0, v2  }
0xd: {  	vm1 =	vgt.s32 v0, $0x0;
	v2 =	vmin.u32 v2, $0xFFFF  }
0xe: {  	v0 =	vnsel vm1, $0x0, v0  }
0xf: {  	v0 =	vmin.u32 v0, $0xFFFF  }
0x10: {  	[tilespmem:s15], [sflag:$0x1] =	stream.indirect_vreg.gather [hbm4b:s3+s10], $0x1, v1, vm0, $0x4038;
	[tilespmem:$0x1000] =	vst v63  }
0x11: {  	(ifvalue) =	ssetifvalue $0x7FFFFFFF  }
0x12: {  	[tilespmem:s16], [sflag:$0x1] =	stream.indirect_vreg.gather [hbm4b:s3+s10], $0x1, v2, vm0, $0x4038;
	[tilespmem:$0x1000] =	vst v63  }
0x13: {  	s29 =	sadd.s32 $0x10, s16;
	(ifvalue) =	ssetifvalue $0x7FFFFFFF  }
0x14: {  	[tilespmem:s29], [sflag:$0x1] =	stream.indirect_vreg.gather [hbm4b:s3+s10], $0x1, v0, vm0, $0x4038;
	[tilespmem:$0x1000] =	vst v63  }
0x15: {  	_ =	swait.ge [sflag:s6], $0x400  }
0x16: {  	s30 =	sshrl.u32 s13, $0x3;
	[sflag:s6] =	ssyncset.done $0x0  }
0x17: {  	s31 =	sand.u32 $0x7, s13;
	s15 =	sadd.s32 s5, s30;
	[sflag:s6] =	ssyncadd.s32 $0xFFFFFC00  }
0x18: {  	[hbm4b:s15+s31] =	stream.linear.scatter [tilespmem:s14], [sflag:$0x3], $0x400, $0x38;
	[tilespmem:$0x1000] =	vst v63  }
.LBB2_5:
0x19: {  	s15 =	sadd.s32 $0x8000, s11  }
0x1a: {  	p2 =	sgt.s32 s15, $0xFFFF  }
0x1b: {  	s15 =	smov.u32 @p2 s2;
	p2 =	sne.s32 s12, s9  }
.Ltmp1:
0x1c: {  	p1 =	slt.u32 s12, $0x2;
	(pc) =	sbr.rel @!p2 .LBB2_6-.Ltmp1, $4  }
0x1d: {  	s14 =	simm.s32 @!p1 $0x3  }
0x1e: {  	s16 =	sadd.s32 $0x1, s12;
	_ =	swait.ge @!p1 [sflag:s14], $0x400  }
0x1f: {  	s13 =	smov.u32 s11;
	p0 =	por !p0, !p0;
	[sflag:s14] =	ssyncset.done @!p1 $0x0  }
0x20: {  	s12 =	smov.u32 s16;
	s11 =	smov.u32 s15;
	[sflag:s14] =	ssyncadd.s32 @!p1 $0xFFFFFC00  }
.LBB2_1:
0x21: {  	p1 =	sge.u32 s12, s8  }
0x22: {  	s14 =	sxor.u32 @!p1 $0xFFFFFFFF, s12  }
0x23: {  	s31 =	sadd.s32 $0xFFFFFFFF, s12;
	s15 =	sshrl.u32 @!p1 s11, $0x3;
	s14 =	sshll.u32 @!p1 s14, $0xA  }
0x24: {  	s16 =	sand.u32 @!p1 $0x7, s11;
	s15 =	sadd.s32 @!p1 s4, s15;
	s14 =	sand.u32 @!p1 $0x400, s14  }
0x25: {  	[tilespmem:s14], [sflag:$0x2] =	stream.linear.gather @!p1 [hbm4b:s15+s16], $0x400, $0x38;
	[tilespmem:$0x1000] =	vst v63  }
0x26: {  	p1 =	sge.u32 s31, s8  }
.Ltmp2:
0x27: {  	_ = 	snop;
	(pc) =	sbr.rel @p1 .LBB2_5-.Ltmp2, $1  }
0x28: {  	_ =	sdelay $0x3  }
0x29: {  	s14 =	simm.s32 $0x1  }
0x2a: {  	_ =	swait.ge [sflag:s7], $0x400;
	s14 =	simm.s32 @!p0 $0x0  }
0x2b: {  	[sflag:s7] =	ssyncset.done $0x0;
	s14 =	sshll.u32 s14, $0xA  }
0x2c: {  	[sflag:s7] =	ssyncadd.s32 $0xFFFFFC00;
	(ifvalue) =	ssetifvalue $0x7FFFFFFF;
	v0 =	vld.msk [tilespmem:s14+$0x0 ss:$0x1], $0xffff;
	_ =	sdelay $0x4  }
0x2d: {  	s15 =	sadd.s32 $0x10, s14;
	vm1 =	vgt.s32 v0, $0x0  }
0x2e: {  	v2 =	vld.msk [tilespmem:s15+$0x0 ss:$0x1], $0xffff;
	v1 =	vnsel vm1, $0x0, v0  }
0x2f: {  	v1 =	vmin.u32 v1, $0xFFFF;
	_ =	sdelay $0x1  }
0x30: {  	s16 =	sshll.u32 s12, $0xA;
	s18 =	simm.s32 $0x20  }
0x31: {  	s16 =	sand.u32 $0x400, s16;
	s17 =	sadd.s32 $0x10, s15;
	s15 =	sor.u32 $0x800, s14  }
0x32: {  	s14 =	sor.u32 $0x800, s16;
	s16 =	sadd.s32 $0x10, s15;
	v0 =	vld.msk [tilespmem:s17+$0x0 ss:$0x1], $0xffff;
	vm1 =	vgt.s32 v2, $0x0;
	(ifvalue) =	ssetifvalue $0x7FFFFFFF  }
.LBB2_3:
0x33: {  	[tilespmem:s15], [sflag:$0x1] =	stream.indirect_vreg.gather [hbm4b:s3+s10], $0x1, v1, vm0, $0x4038;
	[tilespmem:$0x1000] =	vst v63  }
0x34: {  	s18 =	sadd.s32 $0x10, s18  }
0x35: {  	v2 =	vnsel vm1, $0x0, v2;
	p1 =	slt.u32 s18, $0x3F0  }
.Ltmp3:
0x36: {  	s15 =	smov.u32 s16;
	v1 =	vmin.u32 v2, $0xFFFF;
	(pc) =	sbr.rel @p1 .LBB2_3-.Ltmp3, $3  }
0x37: {  	_ =	sdelay $0x1  }
0x38: {  	s17 =	sadd.s32 $0x10, s17  }
0x39: {  	vm1 =	vgt.s32 v0, $0x0;
	s16 =	sadd.s32 $0x10, s16;
	v2 =	vmov v0;
	(ifvalue) =	ssetifvalue $0x7FFFFFFF;
	v0 =	vld.msk [tilespmem:s17+$0x0 ss:$0x1], $0xffff  }
.Ltmp4:
0x3a: {  	_ = 	snop;
	(pc) =	sbr.rel .LBB2_4-.Ltmp4, $1  }
0x3b: {  	_ =	sdelay $0x3  }
.LBB2_6:
0x3c: {  	_ =	sfence.sel $0x180000  }
0x3d: {  	s2 =	simm.s32 $0x2;
	[bflag:$0x0] =	sbarrier.arrive $0xFFFF  }
0x3e: {  	s30 =	simm.s32 $0x3;
	[sflag:s2] =	ssyncpa.u1 $0x1  }
0x3f: {  	s31 =	simm.s32 $0x1;
	[sflag:s30] =	ssyncpa.u1 $0x1  }
0x40: {  	[sflag:s31] =	ssyncpa.u1 $0x1  }
0x41: {  	p0 =	sne.s32 s1, $0x0;
	_ =	strace $0x90000047  }
0x42: {  	s0 =	sadd.s32 @!p0 $0x100000, s0;
	[bflag:$0x2] =	sbarrier.arrive $0xFFFF  }
0x43: {  	[sflag:s0] =	ssyncadd.tile.s32 @!p0 $0x1;
	_ =	shalt  }
.Lfunc_end2:
_tile_overlayer_lowered:
.L_overlay_start_2:
0x44: {  	(tag) =	ssettag $0x2  }
0x45: {  	s0 =	rddreg [dreg:$0x0];
	s2 =	stileid.u32  }
0x46: {  	s1 =	rddreg [dreg:$0x1];
	p0 =	sne.s32 s2, $0x0  }
0x47: {  	s3 =	rddreg [dreg:$0x2];
	[bflag:$0x3] =	sbarrier.arrive $0xFFFF;
	s2 =	simm.s32 @!p0 $0x1C01  }
0x48: {  	[timem:s3], [sflag:s2] =	dma.local @!p0 [hbm:s0], s1  }
0x49: {  	s0 =	simm.s32 @!p0 $0x1  }
0x4a: {  	_ =	swait.ge @!p0 [sflag:s0], s1  }
0x4b: {  	s1 =	ssub.s32 @!p0 $0x0, s1;
	[sflag:s0] =	ssyncset.done @!p0 $0x0  }
0x4c: {  	[sflag:s0] =	ssyncadd.s32 @!p0 s1  }
0x4d: {  	[bflag:$0x3] =	sbarrier.arrive $0xFFFF  }
0x4e: {  	_ =	shalt  }

</sc_bundles>
